<compile_context>
chip_gen: v7x
topology: tpu7x:2x2x1
jax: 0.10.2.dev20260603
libtpu: 0.0.44.dev20260713+nightly
codegen_flags: <defaults>
</compile_context>

<pallas_src>
import functools

import jax
import jax.numpy as jnp
from jax import lax
from jax.experimental import pallas as pl
from jax.experimental.pallas import tpu as pltpu
from jax.experimental.pallas import tpu_sc as plsc

CORES = 2
TILES = 16
LANES = 16
CH = 128

N = 10000
D = 256
E = 160000
BLK = 1000

EPT = -(-E // (TILES * CH)) * CH
KJ = EPT // CH
EP = EPT * TILES
NROWS = 10240
SLAB = NROWS // TILES
ZR = 32
HALF = D // 2



def _zero_vmem(buf, nrows, value=0.0):
    def fill(i, carry):
        for k in range(HALF // LANES):
            buf[i, pl.ds(k * LANES, LANES)] = jnp.full(
                (LANES,), value, jnp.float32)
        return carry
    lax.fori_loop(0, nrows, fill, 0)


def _deg_body(e_ref, out_ref, idx_v, ones_v, zbuf, deg_sh):
    c = lax.axis_index("c")
    s = lax.axis_index("s")
    _zero_vmem(zbuf, ZR)
    _zero_vmem(ones_v, CH, 1.0)

    for t in range(SLAB // ZR):
        pltpu.sync_copy(zbuf, deg_sh.at[pl.ds(s * SLAB + t * ZR, ZR)])
    plsc.subcore_barrier()

    pltpu.sync_copy(e_ref.at[c, s], idx_v)

    def chunk(j, carry):
        pltpu.sync_copy(ones_v, deg_sh.at[idx_v.at[j]], add=True)
        return carry
    lax.fori_loop(0, KJ, chunk, 0)

    plsc.subcore_barrier()
    pltpu.sync_copy(deg_sh.at[pl.ds(s * SLAB, SLAB)],
                    out_ref.at[c, pl.ds(s * SLAB, SLAB)])


@functools.cache
def _deg_kernel():
    mesh = plsc.VectorSubcoreMesh(
        core_axis_name="c", subcore_axis_name="s",
        num_cores=CORES, num_subcores=TILES)
    return pl.kernel(
        _deg_body,
        out_type=jax.ShapeDtypeStruct((CORES, NROWS, HALF), jnp.float32),
        mesh=mesh,
        scratch_types=[
            pltpu.VMEM((KJ, CH), jnp.int32),
            pltpu.VMEM((CH, HALF), jnp.float32),
            pltpu.VMEM((ZR, HALF), jnp.float32),
            pltpu.VMEM_SHARED((NROWS, HALF), jnp.float32),
        ],
    )


def _scale_body(xa_ref, xb_ref, dego_ref, y0_ref, y1_ref):
    s = lax.rsqrt(jnp.maximum(dego_ref[...], 1.0))
    y0_ref[...] = xa_ref[...] * s
    y1_ref[...] = xb_ref[...] * s


_scale_kernel = pl.pallas_call(
    _scale_body,
    grid=(N // BLK,),
    in_specs=[
        pl.BlockSpec((BLK, HALF), lambda i: (i, 0)),
        pl.BlockSpec((BLK, HALF), lambda i: (i, 1)),
        pl.BlockSpec((BLK, 1), lambda i: (i, 0)),
    ],
    out_specs=[
        pl.BlockSpec((BLK, HALF), lambda i: (i, 0)),
        pl.BlockSpec((BLK, HALF), lambda i: (i, 0)),
    ],
    out_shape=[
        jax.ShapeDtypeStruct((N, HALF), jnp.float32),
        jax.ShapeDtypeStruct((N, HALF), jnp.float32),
    ],
)


def _agg_body(y_ref, src_ref, dst_ref, out_ref,
              src_v, dst_v, rows_v, zbuf, agg_sh, sem):
    c = lax.axis_index("c")
    s = lax.axis_index("s")

    _zero_vmem(zbuf, ZR)

    for t in range(SLAB // ZR):
        pltpu.sync_copy(zbuf, agg_sh.at[pl.ds(s * SLAB + t * ZR, ZR)])
    plsc.subcore_barrier()

    pltpu.sync_copy(src_ref.at[c, s], src_v)
    pltpu.sync_copy(dst_ref.at[s], dst_v)

    def chunk(j, carry):
        pltpu.sync_copy(y_ref.at[src_v.at[j]], rows_v)
        pltpu.sync_copy(rows_v, agg_sh.at[dst_v.at[j]], add=True)
        return carry
    lax.fori_loop(0, KJ, chunk, 0)

    plsc.subcore_barrier()
    pltpu.sync_copy(agg_sh.at[pl.ds(s * SLAB, SLAB)],
                    out_ref.at[c, pl.ds(s * SLAB, SLAB)])


@functools.cache
def _agg_kernel():
    mesh = plsc.VectorSubcoreMesh(
        core_axis_name="c", subcore_axis_name="s",
        num_cores=CORES, num_subcores=TILES)
    return pl.kernel(
        _agg_body,
        out_type=jax.ShapeDtypeStruct((CORES, NROWS, HALF), jnp.float32),
        mesh=mesh,
        scratch_types=[
            pltpu.VMEM((KJ, CH), jnp.int32),
            pltpu.VMEM((KJ, CH), jnp.int32),
            pltpu.VMEM((CH, HALF), jnp.float32),
            pltpu.VMEM((ZR, HALF), jnp.float32),
            pltpu.VMEM_SHARED((NROWS, HALF), jnp.float32),
            pltpu.SemaphoreType.DMA,
        ],
    )


def _dense_body(x_ref, a0_ref, a1_ref, degi_ref, w1a_ref, w1b_ref,
                w2_ref, b1_ref, w3_ref, b3_ref, out_ref):
    s = lax.rsqrt(jnp.maximum(degi_ref[...], 1.0))
    h = jnp.dot(a0_ref[0] * s, w1a_ref[...],
                preferred_element_type=jnp.float32)
    h += jnp.dot(a1_ref[0] * s, w1b_ref[...],
                 preferred_element_type=jnp.float32)
    h += jnp.dot(x_ref[...], w2_ref[...], preferred_element_type=jnp.float32)
    h += b1_ref[...]
    h = jnp.where(h >= 0.0, h, 0.2 * h)
    logits = jnp.dot(h, w3_ref[...], preferred_element_type=jnp.float32)
    logits += b3_ref[...]
    m = jnp.max(logits, axis=-1, keepdims=True)
    e = jnp.exp(logits - m)
    out_ref[...] = e / jnp.sum(e, axis=-1, keepdims=True)


def _make_dense(H, LBL):
    return pl.pallas_call(
        _dense_body,
        grid=(N // BLK,),
        in_specs=[
            pl.BlockSpec((BLK, D), lambda i: (i, 0)),
            pl.BlockSpec((1, BLK, HALF), lambda i: (0, i, 0)),
            pl.BlockSpec((1, BLK, HALF), lambda i: (1, i, 0)),
            pl.BlockSpec((BLK, 1), lambda i: (i, 0)),
            pl.BlockSpec((HALF, H), lambda i: (0, 0)),
            pl.BlockSpec((HALF, H), lambda i: (1, 0)),
            pl.BlockSpec((D, H), lambda i: (0, 0)),
            pl.BlockSpec((1, H), lambda i: (0, 0)),
            pl.BlockSpec((H, LBL), lambda i: (0, 0)),
            pl.BlockSpec((1, LBL), lambda i: (0, 0)),
        ],
        out_specs=pl.BlockSpec((BLK, LBL), lambda i: (i, 0)),
        out_shape=jax.ShapeDtypeStruct((N, LBL), jnp.float32),
    )


def kernel(x, edge_index, W1, W2, b1, W3, b3):
    H = W1.shape[1]
    LBL = W3.shape[1]
    src = edge_index[0]
    dst = edge_index[1]
    pad = EP - E

    junk = jnp.full((2, pad), N + 100, jnp.int32)
    e_deg = jnp.concatenate([edge_index, junk], axis=1)
    e_deg = e_deg.reshape(2, TILES, KJ, CH)
    degp = _deg_kernel()(e_deg)
    dego = degp[0, :N, 0].reshape(N, 1)
    degi = degp[1, :N, 0].reshape(N, 1)

    y0, y1 = _scale_kernel(x, x, dego)
    y2z = jnp.concatenate(
        [y0, y1, jnp.zeros((LANES, HALF), jnp.float32)], axis=0)
    zrow = 2 * N

    padi = jnp.full((pad,), zrow, jnp.int32)
    srcg = jnp.stack([
        jnp.concatenate([src, padi]),
        jnp.concatenate([src + N, padi]),
    ]).reshape(CORES, TILES, KJ, CH)
    dstg = jnp.concatenate(
        [dst, jnp.zeros((pad,), jnp.int32)]).reshape(TILES, KJ, CH)

    agg = _agg_kernel()(y2z, srcg, dstg)

    out = _make_dense(H, LBL)(
        x, agg, agg, degi, W1, W1, W2,
        b1.reshape(1, H), W3, b3.reshape(1, LBL))
    return out

# --- scband reference (transcript-rebuilt; emitter-appended) ---
"""Pipeline reference for scband-my-first-gnn-23579370455502 (READ-ONLY COPY).

The authoritative reference and input builder live on the scoring server;
editing this copy changes nothing except your own understanding.
"""

import jax, jax.numpy as jnp
import numpy as np

N = 10000
E = 160000
D = 256
H = 512
L = 64


def setup_inputs(seed: int = 0) -> dict:
    key = jax.random.key(seed)
    k1, k2, k3, k4, k5 = jax.random.split(key, 5)
    x = jax.random.normal(k1, (N, D), dtype=jnp.float32)
    edge_index = jax.random.randint(k2, (2, E), 0, N, dtype=jnp.int32)
    # GCSConv layer 1 params: skip-connection graph conv
    W1 = jax.random.normal(k3, (D, H), dtype=jnp.float32) * (1.0 / np.sqrt(D))
    W2 = jax.random.normal(k4, (D, H), dtype=jnp.float32) * (1.0 / np.sqrt(D))
    b1 = jnp.zeros((H,), dtype=jnp.float32)
    # final Dense(n_labels, softmax)
    W3 = jax.random.normal(k5, (H, L), dtype=jnp.float32) * (1.0 / np.sqrt(H))
    b3 = jnp.zeros((L,), dtype=jnp.float32)
    return {"x": x, "edge_index": edge_index, "W1": W1, "W2": W2, "b1": b1, "W3": W3, "b3": b3}


def reference(x, edge_index, W1, W2, b1, W3, b3):
    # GCSConv: out = D^{-1/2} A D^{-1/2} (X W1) + X W2 + b  (skip connection, no self-loops)
    src = edge_index[0]
    dst = edge_index[1]
    n = x.shape[0]
    ones = jnp.ones((src.shape[0],), dtype=x.dtype)
    deg_out = jnp.zeros((n,), dtype=x.dtype).at[src].add(ones)
    deg_in = jnp.zeros((n,), dtype=x.dtype).at[dst].add(ones)
    inv_sqrt_out = jax.lax.rsqrt(jnp.maximum(deg_out, 1.0))
    inv_sqrt_in = jax.lax.rsqrt(jnp.maximum(deg_in, 1.0))
    norm = inv_sqrt_out[src] * inv_sqrt_in[dst]  # [E]
    xw = x @ W1  # [N, H]
    msg = jnp.take(xw, src, axis=0) * norm[:, None]  # gather + edge weight
    agg = jnp.zeros((n, xw.shape[1]), dtype=x.dtype).at[dst].add(msg)  # scatter-add
    h = agg + x @ W2 + b1
    # LeakyReLU(alpha=0.2)
    h = jnp.where(h >= 0, h, 0.2 * h)
    # Dense(n_labels, activation='softmax')
    logits = h @ W3 + b3
    return jax.nn.softmax(logits, axis=-1)

if __name__ == "__main__":
    import jax
    _d = setup_inputs()
    print(jax.jit(kernel)(*tuple(_d.values())))

</pallas_src>

<mosaic_0001>
#map = affine_map<(d0, d1) -> (0, 0)>
#map1 = affine_map<(d0, d1) -> (0, 0, 0, 0)>
#map2 = affine_map<(d0, d1) -> (0, 0, 0)>
module attributes {stable_mosaic.version = 14 : i64} {
  func.func @_agg_body(%arg0: i32, %arg1: i32, %arg2: memref<20016x128xf32, #tpu.memory_space<hbm>>, %arg3: memref<2x16x79x128xi32, #tpu.memory_space<hbm>>, %arg4: memref<16x79x128xi32, #tpu.memory_space<hbm>>, %arg5: memref<2x10240x128xf32, #tpu.memory_space<hbm>>, %arg6: memref<79x128xi32, #tpu.memory_space<vmem>>, %arg7: memref<79x128xi32, #tpu.memory_space<vmem>>, %arg8: memref<128x128xf32, #tpu.memory_space<vmem>>, %arg9: memref<32x128xf32, #tpu.memory_space<vmem>>, %arg10: memref<10240x128xf32, #tpu.memory_space<vmem_shared>>, %arg11: memref<!tpu.dma_semaphore, #tpu.memory_space<semaphore_mem>>) attributes {dimension_semantics = [#tpu.dimension_semantics<core_parallel>, #tpu.dimension_semantics<subcore_parallel>], iteration_bounds = array<i64: 2, 16>, scalar_prefetch = 0 : i64, scratch_operands = 6 : i64, tpu.core_type = #tpu.core_type<sc_vector_subcore>, window_params = [{transform_indices = #map}, {transform_indices = #map1}, {transform_indices = #map2}, {transform_indices = #map2}]} {
    %scan3A = arith.constant 0 : i32
    %scan3A_0 = arith.constant 0 : i32
    %scan3A_1 = arith.constant 32 : i32
    %scan3A_2 = arith.addi %scan3A_0, %scan3A_1 : i32
    %scan3A_3 = arith.constant 1 : i32
    scf.for %scan3A_94 = %scan3A_0 to %scan3A_2 step %scan3A_3  : i32 {
      %broadcast_in_dim3A = arith.constant 0.000000e+00 : f32
      %broadcast_in_dim3A_95 = vector.broadcast %broadcast_in_dim3A : f32 to vector<16xf32>
      %swap3A = arith.index_cast %scan3A_94 : i32 to index
      %swap3A_96 = arith.constant 0 : index
      %swap3A_97 = tpu.vector_load %arg9[%swap3A, %swap3A_96] {strides = array<i32>} : memref<32x128xf32, #tpu.memory_space<vmem>>, vector<1x16xf32>,
      %swap3A_98 = vector.shape_cast %swap3A_97 : vector<1x16xf32> to vector<16xf32>
      %swap3A_99 = vector.shape_cast %broadcast_in_dim3A_95 : vector<16xf32> to vector<1x16xf32>
      tpu.vector_store %arg9[%swap3A, %swap3A_96], %swap3A_99 {strides = array<i32>} : memref<32x128xf32, #tpu.memory_space<vmem>>, vector<1x16xf32>,
      %broadcast_in_dim3A_100 = arith.constant 0.000000e+00 : f32
      %broadcast_in_dim3A_101 = vector.broadcast %broadcast_in_dim3A_100 : f32 to vector<16xf32>
      %swap3A_102 = arith.index_cast %scan3A_94 : i32 to index
      %swap3A_103 = arith.constant 16 : index
      %swap3A_104 = tpu.vector_load %arg9[%swap3A_102, %swap3A_103] {strides = array<i32>} : memref<32x128xf32, #tpu.memory_space<vmem>>, vector<1x16xf32>,
      %swap3A_105 = vector.shape_cast %swap3A_104 : vector<1x16xf32> to vector<16xf32>
      %swap3A_106 = vector.shape_cast %broadcast_in_dim3A_101 : vector<16xf32> to vector<1x16xf32>
      tpu.vector_store %arg9[%swap3A_102, %swap3A_103], %swap3A_106 {strides = array<i32>} : memref<32x128xf32, #tpu.memory_space<vmem>>, vector<1x16xf32>,
      %broadcast_in_dim3A_107 = arith.constant 0.000000e+00 : f32
      %broadcast_in_dim3A_108 = vector.broadcast %broadcast_in_dim3A_107 : f32 to vector<16xf32>
      %swap3A_109 = arith.index_cast %scan3A_94 : i32 to index
      %swap3A_110 = arith.constant 32 : index
      %swap3A_111 = tpu.vector_load %arg9[%swap3A_109, %swap3A_110] {strides = array<i32>} : memref<32x128xf32, #tpu.memory_space<vmem>>, vector<1x16xf32>,
      %swap3A_112 = vector.shape_cast %swap3A_111 : vector<1x16xf32> to vector<16xf32>
      %swap3A_113 = vector.shape_cast %broadcast_in_dim3A_108 : vector<16xf32> to vector<1x16xf32>
      tpu.vector_store %arg9[%swap3A_109, %swap3A_110], %swap3A_113 {strides = array<i32>} : memref<32x128xf32, #tpu.memory_space<vmem>>, vector<1x16xf32>,
      %broadcast_in_dim3A_114 = arith.constant 0.000000e+00 : f32
      %broadcast_in_dim3A_115 = vector.broadcast %broadcast_in_dim3A_114 : f32 to vector<16xf32>
      %swap3A_116 = arith.index_cast %scan3A_94 : i32 to index
      %swap3A_117 = arith.constant 48 : index
      %swap3A_118 = tpu.vector_load %arg9[%swap3A_116, %swap3A_117] {strides = array<i32>} : memref<32x128xf32, #tpu.memory_space<vmem>>, vector<1x16xf32>,
      %swap3A_119 = vector.shape_cast %swap3A_118 : vector<1x16xf32> to vector<16xf32>
      %swap3A_120 = vector.shape_cast %broadcast_in_dim3A_115 : vector<16xf32> to vector<1x16xf32>
      tpu.vector_store %arg9[%swap3A_116, %swap3A_117], %swap3A_120 {strides = array<i32>} : memref<32x128xf32, #tpu.memory_space<vmem>>, vector<1x16xf32>,
      %broadcast_in_dim3A_121 = arith.constant 0.000000e+00 : f32
      %broadcast_in_dim3A_122 = vector.broadcast %broadcast_in_dim3A_121 : f32 to vector<16xf32>
      %swap3A_123 = arith.index_cast %scan3A_94 : i32 to index
      %swap3A_124 = arith.constant 64 : index
      %swap3A_125 = tpu.vector_load %arg9[%swap3A_123, %swap3A_124] {strides = array<i32>} : memref<32x128xf32, #tpu.memory_space<vmem>>, vector<1x16xf32>,
      %swap3A_126 = vector.shape_cast %swap3A_125 : vector<1x16xf32> to vector<16xf32>
      %swap3A_127 = vector.shape_cast %broadcast_in_dim3A_122 : vector<16xf32> to vector<1x16xf32>
      tpu.vector_store %arg9[%swap3A_123, %swap3A_124], %swap3A_127 {strides = array<i32>} : memref<32x128xf32, #tpu.memory_space<vmem>>, vector<1x16xf32>,
      %broadcast_in_dim3A_128 = arith.constant 0.000000e+00 : f32
      %broadcast_in_dim3A_129 = vector.broadcast %broadcast_in_dim3A_128 : f32 to vector<16xf32>
      %swap3A_130 = arith.index_cast %scan3A_94 : i32 to index
      %swap3A_131 = arith.constant 80 : index
      %swap3A_132 = tpu.vector_load %arg9[%swap3A_130, %swap3A_131] {strides = array<i32>} : memref<32x128xf32, #tpu.memory_space<vmem>>, vector<1x16xf32>,
      %swap3A_133 = vector.shape_cast %swap3A_132 : vector<1x16xf32> to vector<16xf32>
      %swap3A_134 = vector.shape_cast %broadcast_in_dim3A_129 : vector<16xf32> to vector<1x16xf32>
      tpu.vector_store %arg9[%swap3A_130, %swap3A_131], %swap3A_134 {strides = array<i32>} : memref<32x128xf32, #tpu.memory_space<vmem>>, vector<1x16xf32>,
      %broadcast_in_dim3A_135 = arith.constant 0.000000e+00 : f32
      %broadcast_in_dim3A_136 = vector.broadcast %broadcast_in_dim3A_135 : f32 to vector<16xf32>
      %swap3A_137 = arith.index_cast %scan3A_94 : i32 to index
      %swap3A_138 = arith.constant 96 : index
      %swap3A_139 = tpu.vector_load %arg9[%swap3A_137, %swap3A_138] {strides = array<i32>} : memref<32x128xf32, #tpu.memory_space<vmem>>, vector<1x16xf32>,
      %swap3A_140 = vector.shape_cast %swap3A_139 : vector<1x16xf32> to vector<16xf32>
      %swap3A_141 = vector.shape_cast %broadcast_in_dim3A_136 : vector<16xf32> to vector<1x16xf32>
      tpu.vector_store %arg9[%swap3A_137, %swap3A_138], %swap3A_141 {strides = array<i32>} : memref<32x128xf32, #tpu.memory_space<vmem>>, vector<1x16xf32>,
      %broadcast_in_dim3A_142 = arith.constant 0.000000e+00 : f32
      %broadcast_in_dim3A_143 = vector.broadcast %broadcast_in_dim3A_142 : f32 to vector<16xf32>
      %swap3A_144 = arith.index_cast %scan3A_94 : i32 to index
      %swap3A_145 = arith.constant 112 : index
      %swap3A_146 = tpu.vector_load %arg9[%swap3A_144, %swap3A_145] {strides = array<i32>} : memref<32x128xf32, #tpu.memory_space<vmem>>, vector<1x16xf32>,
      %swap3A_147 = vector.shape_cast %swap3A_146 : vector<1x16xf32> to vector<16xf32>
      %swap3A_148 = vector.shape_cast %broadcast_in_dim3A_143 : vector<16xf32> to vector<1x16xf32>
      tpu.vector_store %arg9[%swap3A_144, %swap3A_145], %swap3A_148 {strides = array<i32>} : memref<32x128xf32, #tpu.memory_space<vmem>>, vector<1x16xf32>,
    }
    %scan3A_4 = arith.constant 32 : i32
    %mul3A = arith.constant 640 : i32
    %mul3A_5 = arith.muli %arg1, %mul3A : i32
    %add3A = arith.constant 0 : i32
    %add3A_6 = arith.addi %mul3A_5, %add3A : i32
    "tpu.region"() ({
      %run_scoped3A = tpu.sem_alloc : memref<!tpu.dma_semaphore, #tpu.memory_space<semaphore_mem>>
      %dma_start3A = arith.constant 0 : i32
      %dma_start3A_94 = tpu.memref_slice %arg10[%add3A_6, %dma_start3A] : memref<10240x128xf32, #tpu.memory_space<vmem_shared>> -> memref<32x128xf32, #tpu.memory_space<vmem_shared>>
      %dma_start3A_95 = arith.constant 0 : i32
      %dma_start3A_96 = tpu.memref_slice %arg10[%add3A_6, %dma_start3A_95] : memref<10240x128xf32, #tpu.memory_space<vmem_shared>> -> memref<32x128xf32, #tpu.memory_space<vmem_shared>>
      tpu.enqueue_dma source(%arg9 : memref<32x128xf32, #tpu.memory_space<vmem>>) target(%dma_start3A_96 : memref<32x128xf32, #tpu.memory_space<vmem_shared>>) target_semaphore(%run_scoped3A : memref<!tpu.dma_semaphore, #tpu.memory_space<semaphore_mem>>)
      %dma_wait3A = arith.constant 0 : i32
      %dma_wait3A_97 = tpu.memref_slice %arg10[%add3A_6, %dma_wait3A] : memref<10240x128xf32, #tpu.memory_space<vmem_shared>> -> memref<32x128xf32, #tpu.memory_space<vmem_shared>>
      %dma_wait3A_98 = arith.constant 0 : i32
      %dma_wait3A_99 = tpu.memref_slice %arg10[%add3A_6, %dma_wait3A_98] : memref<10240x128xf32, #tpu.memory_space<vmem_shared>> -> memref<32x128xf32, #tpu.memory_space<vmem_shared>>
      tpu.wait_dma2 semaphore(%run_scoped3A : memref<!tpu.dma_semaphore, #tpu.memory_space<semaphore_mem>>) src(%arg9 : memref<32x128xf32, #tpu.memory_space<vmem>>) dst(%dma_wait3A_99 : memref<32x128xf32, #tpu.memory_space<vmem_shared>>)
      tpu.yield
    }) : () -> ()
    %mul3A_7 = arith.constant 640 : i32
    %mul3A_8 = arith.muli %arg1, %mul3A_7 : i32
    %add3A_9 = arith.constant 32 : i32
    %add3A_10 = arith.addi %mul3A_8, %add3A_9 : i32
    "tpu.region"() ({
      %run_scoped3A = tpu.sem_alloc : memref<!tpu.dma_semaphore, #tpu.memory_space<semaphore_mem>>
      %dma_start3A = arith.constant 0 : i32
      %dma_start3A_94 = tpu.memref_slice %arg10[%add3A_10, %dma_start3A] : memref<10240x128xf32, #tpu.memory_space<vmem_shared>> -> memref<32x128xf32, #tpu.memory_space<vmem_shared>>
      %dma_start3A_95 = arith.constant 0 : i32
      %dma_start3A_96 = tpu.memref_slice %arg10[%add3A_10, %dma_start3A_95] : memref<10240x128xf32, #tpu.memory_space<vmem_shared>> -> memref<32x128xf32, #tpu.memory_space<vmem_shared>>
      tpu.enqueue_dma source(%arg9 : memref<32x128xf32, #tpu.memory_space<vmem>>) target(%dma_start3A_96 : memref<32x128xf32, #tpu.memory_space<vmem_shared>>) target_semaphore(%run_scoped3A : memref<!tpu.dma_semaphore, #tpu.memory_space<semaphore_mem>>)
      %dma_wait3A = arith.constant 0 : i32
      %dma_wait3A_97 = tpu.memref_slice %arg10[%add3A_10, %dma_wait3A] : memref<10240x128xf32, #tpu.memory_space<vmem_shared>> -> memref<32x128xf32, #tpu.memory_space<vmem_shared>>
      %dma_wait3A_98 = arith.constant 0 : i32
      %dma_wait3A_99 = tpu.memref_slice %arg10[%add3A_10, %dma_wait3A_98] : memref<10240x128xf32, #tpu.memory_space<vmem_shared>> -> memref<32x128xf32, #tpu.memory_space<vmem_shared>>
      tpu.wait_dma2 semaphore(%run_scoped3A : memref<!tpu.dma_semaphore, #tpu.memory_space<semaphore_mem>>) src(%arg9 : memref<32x128xf32, #tpu.memory_space<vmem>>) dst(%dma_wait3A_99 : memref<32x128xf32, #tpu.memory_space<vmem_shared>>)
      tpu.yield
    }) : () -> ()
    %mul3A_11 = arith.constant 640 : i32
    %mul3A_12 = arith.muli %arg1, %mul3A_11 : i32
    %add3A_13 = arith.constant 64 : i32
    %add3A_14 = arith.addi %mul3A_12, %add3A_13 : i32
    "tpu.region"() ({
      %run_scoped3A = tpu.sem_alloc : memref<!tpu.dma_semaphore, #tpu.memory_space<semaphore_mem>>
      %dma_start3A = arith.constant 0 : i32
      %dma_start3A_94 = tpu.memref_slice %arg10[%add3A_14, %dma_start3A] : memref<10240x128xf32, #tpu.memory_space<vmem_shared>> -> memref<32x128xf32, #tpu.memory_space<vmem_shared>>
      %dma_start3A_95 = arith.constant 0 : i32
      %dma_start3A_96 = tpu.memref_slice %arg10[%add3A_14, %dma_start3A_95] : memref<10240x128xf32, #tpu.memory_space<vmem_shared>> -> memref<32x128xf32, #tpu.memory_space<vmem_shared>>
      tpu.enqueue_dma source(%arg9 : memref<32x128xf32, #tpu.memory_space<vmem>>) target(%dma_start3A_96 : memref<32x128xf32, #tpu.memory_space<vmem_shared>>) target_semaphore(%run_scoped3A : memref<!tpu.dma_semaphore, #tpu.memory_space<semaphore_mem>>)
      %dma_wait3A = arith.constant 0 : i32
      %dma_wait3A_97 = tpu.memref_slice %arg10[%add3A_14, %dma_wait3A] : memref<10240x128xf32, #tpu.memory_space<vmem_shared>> -> memref<32x128xf32, #tpu.memory_space<vmem_shared>>
      %dma_wait3A_98 = arith.constant 0 : i32
      %dma_wait3A_99 = tpu.memref_slice %arg10[%add3A_14, %dma_wait3A_98] : memref<10240x128xf32, #tpu.memory_space<vmem_shared>> -> memref<32x128xf32, #tpu.memory_space<vmem_shared>>
      tpu.wait_dma2 semaphore(%run_scoped3A : memref<!tpu.dma_semaphore, #tpu.memory_space<semaphore_mem>>) src(%arg9 : memref<32x128xf32, #tpu.memory_space<vmem>>) dst(%dma_wait3A_99 : memref<32x128xf32, #tpu.memory_space<vmem_shared>>)
      tpu.yield
    }) : () -> ()
    %mul3A_15 = arith.constant 640 : i32
    %mul3A_16 = arith.muli %arg1, %mul3A_15 : i32
    %add3A_17 = arith.constant 96 : i32
    %add3A_18 = arith.addi %mul3A_16, %add3A_17 : i32
    "tpu.region"() ({
      %run_scoped3A = tpu.sem_alloc : memref<!tpu.dma_semaphore, #tpu.memory_space<semaphore_mem>>
      %dma_start3A = arith.constant 0 : i32
      %dma_start3A_94 = tpu.memref_slice %arg10[%add3A_18, %dma_start3A] : memref<10240x128xf32, #tpu.memory_space<vmem_shared>> -> memref<32x128xf32, #tpu.memory_space<vmem_shared>>
      %dma_start3A_95 = arith.constant 0 : i32
      %dma_start3A_96 = tpu.memref_slice %arg10[%add3A_18, %dma_start3A_95] : memref<10240x128xf32, #tpu.memory_space<vmem_shared>> -> memref<32x128xf32, #tpu.memory_space<vmem_shared>>
      tpu.enqueue_dma source(%arg9 : memref<32x128xf32, #tpu.memory_space<vmem>>) target(%dma_start3A_96 : memref<32x128xf32, #tpu.memory_space<vmem_shared>>) target_semaphore(%run_scoped3A : memref<!tpu.dma_semaphore, #tpu.memory_space<semaphore_mem>>)
      %dma_wait3A = arith.constant 0 : i32
      %dma_wait3A_97 = tpu.memref_slice %arg10[%add3A_18, %dma_wait3A] : memref<10240x128xf32, #tpu.memory_space<vmem_shared>> -> memref<32x128xf32, #tpu.memory_space<vmem_shared>>
      %dma_wait3A_98 = arith.constant 0 : i32
      %dma_wait3A_99 = tpu.memref_slice %arg10[%add3A_18, %dma_wait3A_98] : memref<10240x128xf32, #tpu.memory_space<vmem_shared>> -> memref<32x128xf32, #tpu.memory_space<vmem_shared>>
      tpu.wait_dma2 semaphore(%run_scoped3A : memref<!tpu.dma_semaphore, #tpu.memory_space<semaphore_mem>>) src(%arg9 : memref<32x128xf32, #tpu.memory_space<vmem>>) dst(%dma_wait3A_99 : memref<32x128xf32, #tpu.memory_space<vmem_shared>>)
      tpu.yield
    }) : () -> ()
    %mul3A_19 = arith.constant 640 : i32
    %mul3A_20 = arith.muli %arg1, %mul3A_19 : i32
    %add3A_21 = arith.constant 128 : i32
    %add3A_22 = arith.addi %mul3A_20, %add3A_21 : i32
    "tpu.region"() ({
      %run_scoped3A = tpu.sem_alloc : memref<!tpu.dma_semaphore, #tpu.memory_space<semaphore_mem>>
      %dma_start3A = arith.constant 0 : i32
      %dma_start3A_94 = tpu.memref_slice %arg10[%add3A_22, %dma_start3A] : memref<10240x128xf32, #tpu.memory_space<vmem_shared>> -> memref<32x128xf32, #tpu.memory_space<vmem_shared>>
      %dma_start3A_95 = arith.constant 0 : i32
      %dma_start3A_96 = tpu.memref_slice %arg10[%add3A_22, %dma_start3A_95] : memref<10240x128xf32, #tpu.memory_space<vmem_shared>> -> memref<32x128xf32, #tpu.memory_space<vmem_shared>>
      tpu.enqueue_dma source(%arg9 : memref<32x128xf32, #tpu.memory_space<vmem>>) target(%dma_start3A_96 : memref<32x128xf32, #tpu.memory_space<vmem_shared>>) target_semaphore(%run_scoped3A : memref<!tpu.dma_semaphore, #tpu.memory_space<semaphore_mem>>)
      %dma_wait3A = arith.constant 0 : i32
      %dma_wait3A_97 = tpu.memref_slice %arg10[%add3A_22, %dma_wait3A] : memref<10240x128xf32, #tpu.memory_space<vmem_shared>> -> memref<32x128xf32, #tpu.memory_space<vmem_shared>>
      %dma_wait3A_98 = arith.constant 0 : i32
      %dma_wait3A_99 = tpu.memref_slice %arg10[%add3A_22, %dma_wait3A_98] : memref<10240x128xf32, #tpu.memory_space<vmem_shared>> -> memref<32x128xf32, #tpu.memory_space<vmem_shared>>
      tpu.wait_dma2 semaphore(%run_scoped3A : memref<!tpu.dma_semaphore, #tpu.memory_space<semaphore_mem>>) src(%arg9 : memref<32x128xf32, #tpu.memory_space<vmem>>) dst(%dma_wait3A_99 : memref<32x128xf32, #tpu.memory_space<vmem_shared>>)
      tpu.yield
    }) : () -> ()
    %mul3A_23 = arith.constant 640 : i32
    %mul3A_24 = arith.muli %arg1, %mul3A_23 : i32
    %add3A_25 = arith.constant 160 : i32
    %add3A_26 = arith.addi %mul3A_24, %add3A_25 : i32
    "tpu.region"() ({
      %run_scoped3A = tpu.sem_alloc : memref<!tpu.dma_semaphore, #tpu.memory_space<semaphore_mem>>
      %dma_start3A = arith.constant 0 : i32
      %dma_start3A_94 = tpu.memref_slice %arg10[%add3A_26, %dma_start3A] : memref<10240x128xf32, #tpu.memory_space<vmem_shared>> -> memref<32x128xf32, #tpu.memory_space<vmem_shared>>
      %dma_start3A_95 = arith.constant 0 : i32
      %dma_start3A_96 = tpu.memref_slice %arg10[%add3A_26, %dma_start3A_95] : memref<10240x128xf32, #tpu.memory_space<vmem_shared>> -> memref<32x128xf32, #tpu.memory_space<vmem_shared>>
      tpu.enqueue_dma source(%arg9 : memref<32x128xf32, #tpu.memory_space<vmem>>) target(%dma_start3A_96 : memref<32x128xf32, #tpu.memory_space<vmem_shared>>) target_semaphore(%run_scoped3A : memref<!tpu.dma_semaphore, #tpu.memory_space<semaphore_mem>>)
      %dma_wait3A = arith.constant 0 : i32
      %dma_wait3A_97 = tpu.memref_slice %arg10[%add3A_26, %dma_wait3A] : memref<10240x128xf32, #tpu.memory_space<vmem_shared>> -> memref<32x128xf32, #tpu.memory_space<vmem_shared>>
      %dma_wait3A_98 = arith.constant 0 : i32
      %dma_wait3A_99 = tpu.memref_slice %arg10[%add3A_26, %dma_wait3A_98] : memref<10240x128xf32, #tpu.memory_space<vmem_shared>> -> memref<32x128xf32, #tpu.memory_space<vmem_shared>>
      tpu.wait_dma2 semaphore(%run_scoped3A : memref<!tpu.dma_semaphore, #tpu.memory_space<semaphore_mem>>) src(%arg9 : memref<32x128xf32, #tpu.memory_space<vmem>>) dst(%dma_wait3A_99 : memref<32x128xf32, #tpu.memory_space<vmem_shared>>)
      tpu.yield
    }) : () -> ()
    %mul3A_27 = arith.constant 640 : i32
    %mul3A_28 = arith.muli %arg1, %mul3A_27 : i32
    %add3A_29 = arith.constant 192 : i32
    %add3A_30 = arith.addi %mul3A_28, %add3A_29 : i32
    "tpu.region"() ({
      %run_scoped3A = tpu.sem_alloc : memref<!tpu.dma_semaphore, #tpu.memory_space<semaphore_mem>>
      %dma_start3A = arith.constant 0 : i32
      %dma_start3A_94 = tpu.memref_slice %arg10[%add3A_30, %dma_start3A] : memref<10240x128xf32, #tpu.memory_space<vmem_shared>> -> memref<32x128xf32, #tpu.memory_space<vmem_shared>>
      %dma_start3A_95 = arith.constant 0 : i32
      %dma_start3A_96 = tpu.memref_slice %arg10[%add3A_30, %dma_start3A_95] : memref<10240x128xf32, #tpu.memory_space<vmem_shared>> -> memref<32x128xf32, #tpu.memory_space<vmem_shared>>
      tpu.enqueue_dma source(%arg9 : memref<32x128xf32, #tpu.memory_space<vmem>>) target(%dma_start3A_96 : memref<32x128xf32, #tpu.memory_space<vmem_shared>>) target_semaphore(%run_scoped3A : memref<!tpu.dma_semaphore, #tpu.memory_space<semaphore_mem>>)
      %dma_wait3A = arith.constant 0 : i32
      %dma_wait3A_97 = tpu.memref_slice %arg10[%add3A_30, %dma_wait3A] : memref<10240x128xf32, #tpu.memory_space<vmem_shared>> -> memref<32x128xf32, #tpu.memory_space<vmem_shared>>
      %dma_wait3A_98 = arith.constant 0 : i32
      %dma_wait3A_99 = tpu.memref_slice %arg10[%add3A_30, %dma_wait3A_98] : memref<10240x128xf32, #tpu.memory_space<vmem_shared>> -> memref<32x128xf32, #tpu.memory_space<vmem_shared>>
      tpu.wait_dma2 semaphore(%run_scoped3A : memref<!tpu.dma_semaphore, #tpu.memory_space<semaphore_mem>>) src(%arg9 : memref<32x128xf32, #tpu.memory_space<vmem>>) dst(%dma_wait3A_99 : memref<32x128xf32, #tpu.memory_space<vmem_shared>>)
      tpu.yield
    }) : () -> ()
    %mul3A_31 = arith.constant 640 : i32
    %mul3A_32 = arith.muli %arg1, %mul3A_31 : i32
    %add3A_33 = arith.constant 224 : i32
    %add3A_34 = arith.addi %mul3A_32, %add3A_33 : i32
    "tpu.region"() ({
      %run_scoped3A = tpu.sem_alloc : memref<!tpu.dma_semaphore, #tpu.memory_space<semaphore_mem>>
      %dma_start3A = arith.constant 0 : i32
      %dma_start3A_94 = tpu.memref_slice %arg10[%add3A_34, %dma_start3A] : memref<10240x128xf32, #tpu.memory_space<vmem_shared>> -> memref<32x128xf32, #tpu.memory_space<vmem_shared>>
      %dma_start3A_95 = arith.constant 0 : i32
      %dma_start3A_96 = tpu.memref_slice %arg10[%add3A_34, %dma_start3A_95] : memref<10240x128xf32, #tpu.memory_space<vmem_shared>> -> memref<32x128xf32, #tpu.memory_space<vmem_shared>>
      tpu.enqueue_dma source(%arg9 : memref<32x128xf32, #tpu.memory_space<vmem>>) target(%dma_start3A_96 : memref<32x128xf32, #tpu.memory_space<vmem_shared>>) target_semaphore(%run_scoped3A : memref<!tpu.dma_semaphore, #tpu.memory_space<semaphore_mem>>)
      %dma_wait3A = arith.constant 0 : i32
      %dma_wait3A_97 = tpu.memref_slice %arg10[%add3A_34, %dma_wait3A] : memref<10240x128xf32, #tpu.memory_space<vmem_shared>> -> memref<32x128xf32, #tpu.memory_space<vmem_shared>>
      %dma_wait3A_98 = arith.constant 0 : i32
      %dma_wait3A_99 = tpu.memref_slice %arg10[%add3A_34, %dma_wait3A_98] : memref<10240x128xf32, #tpu.memory_space<vmem_shared>> -> memref<32x128xf32, #tpu.memory_space<vmem_shared>>
      tpu.wait_dma2 semaphore(%run_scoped3A : memref<!tpu.dma_semaphore, #tpu.memory_space<semaphore_mem>>) src(%arg9 : memref<32x128xf32, #tpu.memory_space<vmem>>) dst(%dma_wait3A_99 : memref<32x128xf32, #tpu.memory_space<vmem_shared>>)
      tpu.yield
    }) : () -> ()
    %mul3A_35 = arith.constant 640 : i32
    %mul3A_36 = arith.muli %arg1, %mul3A_35 : i32
    %add3A_37 = arith.constant 256 : i32
    %add3A_38 = arith.addi %mul3A_36, %add3A_37 : i32
    "tpu.region"() ({
      %run_scoped3A = tpu.sem_alloc : memref<!tpu.dma_semaphore, #tpu.memory_space<semaphore_mem>>
      %dma_start3A = arith.constant 0 : i32
      %dma_start3A_94 = tpu.memref_slice %arg10[%add3A_38, %dma_start3A] : memref<10240x128xf32, #tpu.memory_space<vmem_shared>> -> memref<32x128xf32, #tpu.memory_space<vmem_shared>>
      %dma_start3A_95 = arith.constant 0 : i32
      %dma_start3A_96 = tpu.memref_slice %arg10[%add3A_38, %dma_start3A_95] : memref<10240x128xf32, #tpu.memory_space<vmem_shared>> -> memref<32x128xf32, #tpu.memory_space<vmem_shared>>
      tpu.enqueue_dma source(%arg9 : memref<32x128xf32, #tpu.memory_space<vmem>>) target(%dma_start3A_96 : memref<32x128xf32, #tpu.memory_space<vmem_shared>>) target_semaphore(%run_scoped3A : memref<!tpu.dma_semaphore, #tpu.memory_space<semaphore_mem>>)
      %dma_wait3A = arith.constant 0 : i32
      %dma_wait3A_97 = tpu.memref_slice %arg10[%add3A_38, %dma_wait3A] : memref<10240x128xf32, #tpu.memory_space<vmem_shared>> -> memref<32x128xf32, #tpu.memory_space<vmem_shared>>
      %dma_wait3A_98 = arith.constant 0 : i32
      %dma_wait3A_99 = tpu.memref_slice %arg10[%add3A_38, %dma_wait3A_98] : memref<10240x128xf32, #tpu.memory_space<vmem_shared>> -> memref<32x128xf32, #tpu.memory_space<vmem_shared>>
      tpu.wait_dma2 semaphore(%run_scoped3A : memref<!tpu.dma_semaphore, #tpu.memory_space<semaphore_mem>>) src(%arg9 : memref<32x128xf32, #tpu.memory_space<vmem>>) dst(%dma_wait3A_99 : memref<32x128xf32, #tpu.memory_space<vmem_shared>>)
      tpu.yield
    }) : () -> ()
    %mul3A_39 = arith.constant 640 : i32
    %mul3A_40 = arith.muli %arg1, %mul3A_39 : i32
    %add3A_41 = arith.constant 288 : i32
    %add3A_42 = arith.addi %mul3A_40, %add3A_41 : i32
    "tpu.region"() ({
      %run_scoped3A = tpu.sem_alloc : memref<!tpu.dma_semaphore, #tpu.memory_space<semaphore_mem>>
      %dma_start3A = arith.constant 0 : i32
      %dma_start3A_94 = tpu.memref_slice %arg10[%add3A_42, %dma_start3A] : memref<10240x128xf32, #tpu.memory_space<vmem_shared>> -> memref<32x128xf32, #tpu.memory_space<vmem_shared>>
      %dma_start3A_95 = arith.constant 0 : i32
      %dma_start3A_96 = tpu.memref_slice %arg10[%add3A_42, %dma_start3A_95] : memref<10240x128xf32, #tpu.memory_space<vmem_shared>> -> memref<32x128xf32, #tpu.memory_space<vmem_shared>>
      tpu.enqueue_dma source(%arg9 : memref<32x128xf32, #tpu.memory_space<vmem>>) target(%dma_start3A_96 : memref<32x128xf32, #tpu.memory_space<vmem_shared>>) target_semaphore(%run_scoped3A : memref<!tpu.dma_semaphore, #tpu.memory_space<semaphore_mem>>)
      %dma_wait3A = arith.constant 0 : i32
      %dma_wait3A_97 = tpu.memref_slice %arg10[%add3A_42, %dma_wait3A] : memref<10240x128xf32, #tpu.memory_space<vmem_shared>> -> memref<32x128xf32, #tpu.memory_space<vmem_shared>>
      %dma_wait3A_98 = arith.constant 0 : i32
      %dma_wait3A_99 = tpu.memref_slice %arg10[%add3A_42, %dma_wait3A_98] : memref<10240x128xf32, #tpu.memory_space<vmem_shared>> -> memref<32x128xf32, #tpu.memory_space<vmem_shared>>
      tpu.wait_dma2 semaphore(%run_scoped3A : memref<!tpu.dma_semaphore, #tpu.memory_space<semaphore_mem>>) src(%arg9 : memref<32x128xf32, #tpu.memory_space<vmem>>) dst(%dma_wait3A_99 : memref<32x128xf32, #tpu.memory_space<vmem_shared>>)
      tpu.yield
    }) : () -> ()
    %mul3A_43 = arith.constant 640 : i32
    %mul3A_44 = arith.muli %arg1, %mul3A_43 : i32
    %add3A_45 = arith.constant 320 : i32
    %add3A_46 = arith.addi %mul3A_44, %add3A_45 : i32
    "tpu.region"() ({
      %run_scoped3A = tpu.sem_alloc : memref<!tpu.dma_semaphore, #tpu.memory_space<semaphore_mem>>
      %dma_start3A = arith.constant 0 : i32
      %dma_start3A_94 = tpu.memref_slice %arg10[%add3A_46, %dma_start3A] : memref<10240x128xf32, #tpu.memory_space<vmem_shared>> -> memref<32x128xf32, #tpu.memory_space<vmem_shared>>
      %dma_start3A_95 = arith.constant 0 : i32
      %dma_start3A_96 = tpu.memref_slice %arg10[%add3A_46, %dma_start3A_95] : memref<10240x128xf32, #tpu.memory_space<vmem_shared>> -> memref<32x128xf32, #tpu.memory_space<vmem_shared>>
      tpu.enqueue_dma source(%arg9 : memref<32x128xf32, #tpu.memory_space<vmem>>) target(%dma_start3A_96 : memref<32x128xf32, #tpu.memory_space<vmem_shared>>) target_semaphore(%run_scoped3A : memref<!tpu.dma_semaphore, #tpu.memory_space<semaphore_mem>>)
      %dma_wait3A = arith.constant 0 : i32
      %dma_wait3A_97 = tpu.memref_slice %arg10[%add3A_46, %dma_wait3A] : memref<10240x128xf32, #tpu.memory_space<vmem_shared>> -> memref<32x128xf32, #tpu.memory_space<vmem_shared>>
      %dma_wait3A_98 = arith.constant 0 : i32
      %dma_wait3A_99 = tpu.memref_slice %arg10[%add3A_46, %dma_wait3A_98] : memref<10240x128xf32, #tpu.memory_space<vmem_shared>> -> memref<32x128xf32, #tpu.memory_space<vmem_shared>>
      tpu.wait_dma2 semaphore(%run_scoped3A : memref<!tpu.dma_semaphore, #tpu.memory_space<semaphore_mem>>) src(%arg9 : memref<32x128xf32, #tpu.memory_space<vmem>>) dst(%dma_wait3A_99 : memref<32x128xf32, #tpu.memory_space<vmem_shared>>)
      tpu.yield
    }) : () -> ()
    %mul3A_47 = arith.constant 640 : i32
    %mul3A_48 = arith.muli %arg1, %mul3A_47 : i32
    %add3A_49 = arith.constant 352 : i32
    %add3A_50 = arith.addi %mul3A_48, %add3A_49 : i32
    "tpu.region"() ({
      %run_scoped3A = tpu.sem_alloc : memref<!tpu.dma_semaphore, #tpu.memory_space<semaphore_mem>>
      %dma_start3A = arith.constant 0 : i32
      %dma_start3A_94 = tpu.memref_slice %arg10[%add3A_50, %dma_start3A] : memref<10240x128xf32, #tpu.memory_space<vmem_shared>> -> memref<32x128xf32, #tpu.memory_space<vmem_shared>>
      %dma_start3A_95 = arith.constant 0 : i32
      %dma_start3A_96 = tpu.memref_slice %arg10[%add3A_50, %dma_start3A_95] : memref<10240x128xf32, #tpu.memory_space<vmem_shared>> -> memref<32x128xf32, #tpu.memory_space<vmem_shared>>
      tpu.enqueue_dma source(%arg9 : memref<32x128xf32, #tpu.memory_space<vmem>>) target(%dma_start3A_96 : memref<32x128xf32, #tpu.memory_space<vmem_shared>>) target_semaphore(%run_scoped3A : memref<!tpu.dma_semaphore, #tpu.memory_space<semaphore_mem>>)
      %dma_wait3A = arith.constant 0 : i32
      %dma_wait3A_97 = tpu.memref_slice %arg10[%add3A_50, %dma_wait3A] : memref<10240x128xf32, #tpu.memory_space<vmem_shared>> -> memref<32x128xf32, #tpu.memory_space<vmem_shared>>
      %dma_wait3A_98 = arith.constant 0 : i32
      %dma_wait3A_99 = tpu.memref_slice %arg10[%add3A_50, %dma_wait3A_98] : memref<10240x128xf32, #tpu.memory_space<vmem_shared>> -> memref<32x128xf32, #tpu.memory_space<vmem_shared>>
      tpu.wait_dma2 semaphore(%run_scoped3A : memref<!tpu.dma_semaphore, #tpu.memory_space<semaphore_mem>>) src(%arg9 : memref<32x128xf32, #tpu.memory_space<vmem>>) dst(%dma_wait3A_99 : memref<32x128xf32, #tpu.memory_space<vmem_shared>>)
      tpu.yield
    }) : () -> ()
    %mul3A_51 = arith.constant 640 : i32
    %mul3A_52 = arith.muli %arg1, %mul3A_51 : i32
    %add3A_53 = arith.constant 384 : i32
    %add3A_54 = arith.addi %mul3A_52, %add3A_53 : i32
    "tpu.region"() ({
      %run_scoped3A = tpu.sem_alloc : memref<!tpu.dma_semaphore, #tpu.memory_space<semaphore_mem>>
      %dma_start3A = arith.constant 0 : i32
      %dma_start3A_94 = tpu.memref_slice %arg10[%add3A_54, %dma_start3A] : memref<10240x128xf32, #tpu.memory_space<vmem_shared>> -> memref<32x128xf32, #tpu.memory_space<vmem_shared>>
      %dma_start3A_95 = arith.constant 0 : i32
      %dma_start3A_96 = tpu.memref_slice %arg10[%add3A_54, %dma_start3A_95] : memref<10240x128xf32, #tpu.memory_space<vmem_shared>> -> memref<32x128xf32, #tpu.memory_space<vmem_shared>>
      tpu.enqueue_dma source(%arg9 : memref<32x128xf32, #tpu.memory_space<vmem>>) target(%dma_start3A_96 : memref<32x128xf32, #tpu.memory_space<vmem_shared>>) target_semaphore(%run_scoped3A : memref<!tpu.dma_semaphore, #tpu.memory_space<semaphore_mem>>)
      %dma_wait3A = arith.constant 0 : i32
      %dma_wait3A_97 = tpu.memref_slice %arg10[%add3A_54, %dma_wait3A] : memref<10240x128xf32, #tpu.memory_space<vmem_shared>> -> memref<32x128xf32, #tpu.memory_space<vmem_shared>>
      %dma_wait3A_98 = arith.constant 0 : i32
      %dma_wait3A_99 = tpu.memref_slice %arg10[%add3A_54, %dma_wait3A_98] : memref<10240x128xf32, #tpu.memory_space<vmem_shared>> -> memref<32x128xf32, #tpu.memory_space<vmem_shared>>
      tpu.wait_dma2 semaphore(%run_scoped3A : memref<!tpu.dma_semaphore, #tpu.memory_space<semaphore_mem>>) src(%arg9 : memref<32x128xf32, #tpu.memory_space<vmem>>) dst(%dma_wait3A_99 : memref<32x128xf32, #tpu.memory_space<vmem_shared>>)
      tpu.yield
    }) : () -> ()
    %mul3A_55 = arith.constant 640 : i32
    %mul3A_56 = arith.muli %arg1, %mul3A_55 : i32
    %add3A_57 = arith.constant 416 : i32
    %add3A_58 = arith.addi %mul3A_56, %add3A_57 : i32
    "tpu.region"() ({
      %run_scoped3A = tpu.sem_alloc : memref<!tpu.dma_semaphore, #tpu.memory_space<semaphore_mem>>
      %dma_start3A = arith.constant 0 : i32
      %dma_start3A_94 = tpu.memref_slice %arg10[%add3A_58, %dma_start3A] : memref<10240x128xf32, #tpu.memory_space<vmem_shared>> -> memref<32x128xf32, #tpu.memory_space<vmem_shared>>
      %dma_start3A_95 = arith.constant 0 : i32
      %dma_start3A_96 = tpu.memref_slice %arg10[%add3A_58, %dma_start3A_95] : memref<10240x128xf32, #tpu.memory_space<vmem_shared>> -> memref<32x128xf32, #tpu.memory_space<vmem_shared>>
      tpu.enqueue_dma source(%arg9 : memref<32x128xf32, #tpu.memory_space<vmem>>) target(%dma_start3A_96 : memref<32x128xf32, #tpu.memory_space<vmem_shared>>) target_semaphore(%run_scoped3A : memref<!tpu.dma_semaphore, #tpu.memory_space<semaphore_mem>>)
      %dma_wait3A = arith.constant 0 : i32
      %dma_wait3A_97 = tpu.memref_slice %arg10[%add3A_58, %dma_wait3A] : memref<10240x128xf32, #tpu.memory_space<vmem_shared>> -> memref<32x128xf32, #tpu.memory_space<vmem_shared>>
      %dma_wait3A_98 = arith.constant 0 : i32
      %dma_wait3A_99 = tpu.memref_slice %arg10[%add3A_58, %dma_wait3A_98] : memref<10240x128xf32, #tpu.memory_space<vmem_shared>> -> memref<32x128xf32, #tpu.memory_space<vmem_shared>>
      tpu.wait_dma2 semaphore(%run_scoped3A : memref<!tpu.dma_semaphore, #tpu.memory_space<semaphore_mem>>) src(%arg9 : memref<32x128xf32, #tpu.memory_space<vmem>>) dst(%dma_wait3A_99 : memref<32x128xf32, #tpu.memory_space<vmem_shared>>)
      tpu.yield
    }) : () -> ()
    %mul3A_59 = arith.constant 640 : i32
    %mul3A_60 = arith.muli %arg1, %mul3A_59 : i32
    %add3A_61 = arith.constant 448 : i32
    %add3A_62 = arith.addi %mul3A_60, %add3A_61 : i32
    "tpu.region"() ({
      %run_scoped3A = tpu.sem_alloc : memref<!tpu.dma_semaphore, #tpu.memory_space<semaphore_mem>>
      %dma_start3A = arith.constant 0 : i32
      %dma_start3A_94 = tpu.memref_slice %arg10[%add3A_62, %dma_start3A] : memref<10240x128xf32, #tpu.memory_space<vmem_shared>> -> memref<32x128xf32, #tpu.memory_space<vmem_shared>>
      %dma_start3A_95 = arith.constant 0 : i32
      %dma_start3A_96 = tpu.memref_slice %arg10[%add3A_62, %dma_start3A_95] : memref<10240x128xf32, #tpu.memory_space<vmem_shared>> -> memref<32x128xf32, #tpu.memory_space<vmem_shared>>
      tpu.enqueue_dma source(%arg9 : memref<32x128xf32, #tpu.memory_space<vmem>>) target(%dma_start3A_96 : memref<32x128xf32, #tpu.memory_space<vmem_shared>>) target_semaphore(%run_scoped3A : memref<!tpu.dma_semaphore, #tpu.memory_space<semaphore_mem>>)
      %dma_wait3A = arith.constant 0 : i32
      %dma_wait3A_97 = tpu.memref_slice %arg10[%add3A_62, %dma_wait3A] : memref<10240x128xf32, #tpu.memory_space<vmem_shared>> -> memref<32x128xf32, #tpu.memory_space<vmem_shared>>
      %dma_wait3A_98 = arith.constant 0 : i32
      %dma_wait3A_99 = tpu.memref_slice %arg10[%add3A_62, %dma_wait3A_98] : memref<10240x128xf32, #tpu.memory_space<vmem_shared>> -> memref<32x128xf32, #tpu.memory_space<vmem_shared>>
      tpu.wait_dma2 semaphore(%run_scoped3A : memref<!tpu.dma_semaphore, #tpu.memory_space<semaphore_mem>>) src(%arg9 : memref<32x128xf32, #tpu.memory_space<vmem>>) dst(%dma_wait3A_99 : memref<32x128xf32, #tpu.memory_space<vmem_shared>>)
      tpu.yield
    }) : () -> ()
    %mul3A_63 = arith.constant 640 : i32
    %mul3A_64 = arith.muli %arg1, %mul3A_63 : i32
    %add3A_65 = arith.constant 480 : i32
    %add3A_66 = arith.addi %mul3A_64, %add3A_65 : i32
    "tpu.region"() ({
      %run_scoped3A = tpu.sem_alloc : memref<!tpu.dma_semaphore, #tpu.memory_space<semaphore_mem>>
      %dma_start3A = arith.constant 0 : i32
      %dma_start3A_94 = tpu.memref_slice %arg10[%add3A_66, %dma_start3A] : memref<10240x128xf32, #tpu.memory_space<vmem_shared>> -> memref<32x128xf32, #tpu.memory_space<vmem_shared>>
      %dma_start3A_95 = arith.constant 0 : i32
      %dma_start3A_96 = tpu.memref_slice %arg10[%add3A_66, %dma_start3A_95] : memref<10240x128xf32, #tpu.memory_space<vmem_shared>> -> memref<32x128xf32, #tpu.memory_space<vmem_shared>>
      tpu.enqueue_dma source(%arg9 : memref<32x128xf32, #tpu.memory_space<vmem>>) target(%dma_start3A_96 : memref<32x128xf32, #tpu.memory_space<vmem_shared>>) target_semaphore(%run_scoped3A : memref<!tpu.dma_semaphore, #tpu.memory_space<semaphore_mem>>)
      %dma_wait3A = arith.constant 0 : i32
      %dma_wait3A_97 = tpu.memref_slice %arg10[%add3A_66, %dma_wait3A] : memref<10240x128xf32, #tpu.memory_space<vmem_shared>> -> memref<32x128xf32, #tpu.memory_space<vmem_shared>>
      %dma_wait3A_98 = arith.constant 0 : i32
      %dma_wait3A_99 = tpu.memref_slice %arg10[%add3A_66, %dma_wait3A_98] : memref<10240x128xf32, #tpu.memory_space<vmem_shared>> -> memref<32x128xf32, #tpu.memory_space<vmem_shared>>
      tpu.wait_dma2 semaphore(%run_scoped3A : memref<!tpu.dma_semaphore, #tpu.memory_space<semaphore_mem>>) src(%arg9 : memref<32x128xf32, #tpu.memory_space<vmem>>) dst(%dma_wait3A_99 : memref<32x128xf32, #tpu.memory_space<vmem_shared>>)
      tpu.yield
    }) : () -> ()
    %mul3A_67 = arith.constant 640 : i32
    %mul3A_68 = arith.muli %arg1, %mul3A_67 : i32
    %add3A_69 = arith.constant 512 : i32
    %add3A_70 = arith.addi %mul3A_68, %add3A_69 : i32
    "tpu.region"() ({
      %run_scoped3A = tpu.sem_alloc : memref<!tpu.dma_semaphore, #tpu.memory_space<semaphore_mem>>
      %dma_start3A = arith.constant 0 : i32
      %dma_start3A_94 = tpu.memref_slice %arg10[%add3A_70, %dma_start3A] : memref<10240x128xf32, #tpu.memory_space<vmem_shared>> -> memref<32x128xf32, #tpu.memory_space<vmem_shared>>
      %dma_start3A_95 = arith.constant 0 : i32
      %dma_start3A_96 = tpu.memref_slice %arg10[%add3A_70, %dma_start3A_95] : memref<10240x128xf32, #tpu.memory_space<vmem_shared>> -> memref<32x128xf32, #tpu.memory_space<vmem_shared>>
      tpu.enqueue_dma source(%arg9 : memref<32x128xf32, #tpu.memory_space<vmem>>) target(%dma_start3A_96 : memref<32x128xf32, #tpu.memory_space<vmem_shared>>) target_semaphore(%run_scoped3A : memref<!tpu.dma_semaphore, #tpu.memory_space<semaphore_mem>>)
      %dma_wait3A = arith.constant 0 : i32
      %dma_wait3A_97 = tpu.memref_slice %arg10[%add3A_70, %dma_wait3A] : memref<10240x128xf32, #tpu.memory_space<vmem_shared>> -> memref<32x128xf32, #tpu.memory_space<vmem_shared>>
      %dma_wait3A_98 = arith.constant 0 : i32
      %dma_wait3A_99 = tpu.memref_slice %arg10[%add3A_70, %dma_wait3A_98] : memref<10240x128xf32, #tpu.memory_space<vmem_shared>> -> memref<32x128xf32, #tpu.memory_space<vmem_shared>>
      tpu.wait_dma2 semaphore(%run_scoped3A : memref<!tpu.dma_semaphore, #tpu.memory_space<semaphore_mem>>) src(%arg9 : memref<32x128xf32, #tpu.memory_space<vmem>>) dst(%dma_wait3A_99 : memref<32x128xf32, #tpu.memory_space<vmem_shared>>)
      tpu.yield
    }) : () -> ()
    %mul3A_71 = arith.constant 640 : i32
    %mul3A_72 = arith.muli %arg1, %mul3A_71 : i32
    %add3A_73 = arith.constant 544 : i32
    %add3A_74 = arith.addi %mul3A_72, %add3A_73 : i32
    "tpu.region"() ({
      %run_scoped3A = tpu.sem_alloc : memref<!tpu.dma_semaphore, #tpu.memory_space<semaphore_mem>>
      %dma_start3A = arith.constant 0 : i32
      %dma_start3A_94 = tpu.memref_slice %arg10[%add3A_74, %dma_start3A] : memref<10240x128xf32, #tpu.memory_space<vmem_shared>> -> memref<32x128xf32, #tpu.memory_space<vmem_shared>>
      %dma_start3A_95 = arith.constant 0 : i32
      %dma_start3A_96 = tpu.memref_slice %arg10[%add3A_74, %dma_start3A_95] : memref<10240x128xf32, #tpu.memory_space<vmem_shared>> -> memref<32x128xf32, #tpu.memory_space<vmem_shared>>
      tpu.enqueue_dma source(%arg9 : memref<32x128xf32, #tpu.memory_space<vmem>>) target(%dma_start3A_96 : memref<32x128xf32, #tpu.memory_space<vmem_shared>>) target_semaphore(%run_scoped3A : memref<!tpu.dma_semaphore, #tpu.memory_space<semaphore_mem>>)
      %dma_wait3A = arith.constant 0 : i32
      %dma_wait3A_97 = tpu.memref_slice %arg10[%add3A_74, %dma_wait3A] : memref<10240x128xf32, #tpu.memory_space<vmem_shared>> -> memref<32x128xf32, #tpu.memory_space<vmem_shared>>
      %dma_wait3A_98 = arith.constant 0 : i32
      %dma_wait3A_99 = tpu.memref_slice %arg10[%add3A_74, %dma_wait3A_98] : memref<10240x128xf32, #tpu.memory_space<vmem_shared>> -> memref<32x128xf32, #tpu.memory_space<vmem_shared>>
      tpu.wait_dma2 semaphore(%run_scoped3A : memref<!tpu.dma_semaphore, #tpu.memory_space<semaphore_mem>>) src(%arg9 : memref<32x128xf32, #tpu.memory_space<vmem>>) dst(%dma_wait3A_99 : memref<32x128xf32, #tpu.memory_space<vmem_shared>>)
      tpu.yield
    }) : () -> ()
    %mul3A_75 = arith.constant 640 : i32
    %mul3A_76 = arith.muli %arg1, %mul3A_75 : i32
    %add3A_77 = arith.constant 576 : i32
    %add3A_78 = arith.addi %mul3A_76, %add3A_77 : i32
    "tpu.region"() ({
      %run_scoped3A = tpu.sem_alloc : memref<!tpu.dma_semaphore, #tpu.memory_space<semaphore_mem>>
      %dma_start3A = arith.constant 0 : i32
      %dma_start3A_94 = tpu.memref_slice %arg10[%add3A_78, %dma_start3A] : memref<10240x128xf32, #tpu.memory_space<vmem_shared>> -> memref<32x128xf32, #tpu.memory_space<vmem_shared>>
      %dma_start3A_95 = arith.constant 0 : i32
      %dma_start3A_96 = tpu.memref_slice %arg10[%add3A_78, %dma_start3A_95] : memref<10240x128xf32, #tpu.memory_space<vmem_shared>> -> memref<32x128xf32, #tpu.memory_space<vmem_shared>>
      tpu.enqueue_dma source(%arg9 : memref<32x128xf32, #tpu.memory_space<vmem>>) target(%dma_start3A_96 : memref<32x128xf32, #tpu.memory_space<vmem_shared>>) target_semaphore(%run_scoped3A : memref<!tpu.dma_semaphore, #tpu.memory_space<semaphore_mem>>)
      %dma_wait3A = arith.constant 0 : i32
      %dma_wait3A_97 = tpu.memref_slice %arg10[%add3A_78, %dma_wait3A] : memref<10240x128xf32, #tpu.memory_space<vmem_shared>> -> memref<32x128xf32, #tpu.memory_space<vmem_shared>>
      %dma_wait3A_98 = arith.constant 0 : i32
      %dma_wait3A_99 = tpu.memref_slice %arg10[%add3A_78, %dma_wait3A_98] : memref<10240x128xf32, #tpu.memory_space<vmem_shared>> -> memref<32x128xf32, #tpu.memory_space<vmem_shared>>
      tpu.wait_dma2 semaphore(%run_scoped3A : memref<!tpu.dma_semaphore, #tpu.memory_space<semaphore_mem>>) src(%arg9 : memref<32x128xf32, #tpu.memory_space<vmem>>) dst(%dma_wait3A_99 : memref<32x128xf32, #tpu.memory_space<vmem_shared>>)
      tpu.yield
    }) : () -> ()
    %mul3A_79 = arith.constant 640 : i32
    %mul3A_80 = arith.muli %arg1, %mul3A_79 : i32
    %add3A_81 = arith.constant 608 : i32
    %add3A_82 = arith.addi %mul3A_80, %add3A_81 : i32
    "tpu.region"() ({
      %run_scoped3A = tpu.sem_alloc : memref<!tpu.dma_semaphore, #tpu.memory_space<semaphore_mem>>
      %dma_start3A = arith.constant 0 : i32
      %dma_start3A_94 = tpu.memref_slice %arg10[%add3A_82, %dma_start3A] : memref<10240x128xf32, #tpu.memory_space<vmem_shared>> -> memref<32x128xf32, #tpu.memory_space<vmem_shared>>
      %dma_start3A_95 = arith.constant 0 : i32
      %dma_start3A_96 = tpu.memref_slice %arg10[%add3A_82, %dma_start3A_95] : memref<10240x128xf32, #tpu.memory_space<vmem_shared>> -> memref<32x128xf32, #tpu.memory_space<vmem_shared>>
      tpu.enqueue_dma source(%arg9 : memref<32x128xf32, #tpu.memory_space<vmem>>) target(%dma_start3A_96 : memref<32x128xf32, #tpu.memory_space<vmem_shared>>) target_semaphore(%run_scoped3A : memref<!tpu.dma_semaphore, #tpu.memory_space<semaphore_mem>>)
      %dma_wait3A = arith.constant 0 : i32
      %dma_wait3A_97 = tpu.memref_slice %arg10[%add3A_82, %dma_wait3A] : memref<10240x128xf32, #tpu.memory_space<vmem_shared>> -> memref<32x128xf32, #tpu.memory_space<vmem_shared>>
      %dma_wait3A_98 = arith.constant 0 : i32
      %dma_wait3A_99 = tpu.memref_slice %arg10[%add3A_82, %dma_wait3A_98] : memref<10240x128xf32, #tpu.memory_space<vmem_shared>> -> memref<32x128xf32, #tpu.memory_space<vmem_shared>>
      tpu.wait_dma2 semaphore(%run_scoped3A : memref<!tpu.dma_semaphore, #tpu.memory_space<semaphore_mem>>) src(%arg9 : memref<32x128xf32, #tpu.memory_space<vmem>>) dst(%dma_wait3A_99 : memref<32x128xf32, #tpu.memory_space<vmem_shared>>)
      tpu.yield
    }) : () -> ()
    %barrier3A = arith.constant 0 : index
    tpu.barrier barrier_id(%barrier3A)
    "tpu.region"() ({
      %run_scoped3A = tpu.sem_alloc : memref<!tpu.dma_semaphore, #tpu.memory_space<semaphore_mem>>
      %dma_start3A = arith.constant 0 : i32
      %dma_start3A_94 = arith.constant 0 : i32
      %dma_start3A_95 = tpu.memref_slice %arg3[%arg0, %arg1, %dma_start3A, %dma_start3A_94] : memref<2x16x79x128xi32, #tpu.memory_space<hbm>> -> memref<1x1x79x128xi32, #tpu.memory_space<hbm>>
      %dma_start3A_96 = tpu.memref_squeeze %dma_start3A_95 : memref<1x1x79x128xi32, #tpu.memory_space<hbm>> -> memref<79x128xi32, #tpu.memory_space<hbm>>
      %dma_start3A_97 = arith.constant 0 : i32
      %dma_start3A_98 = arith.constant 0 : i32
      %dma_start3A_99 = tpu.memref_slice %arg3[%arg0, %arg1, %dma_start3A_97, %dma_start3A_98] : memref<2x16x79x128xi32, #tpu.memory_space<hbm>> -> memref<1x1x79x128xi32, #tpu.memory_space<hbm>>
      %dma_start3A_100 = tpu.memref_squeeze %dma_start3A_99 : memref<1x1x79x128xi32, #tpu.memory_space<hbm>> -> memref<79x128xi32, #tpu.memory_space<hbm>>
      tpu.enqueue_dma source(%dma_start3A_100 : memref<79x128xi32, #tpu.memory_space<hbm>>) target(%arg6 : memref<79x128xi32, #tpu.memory_space<vmem>>) target_semaphore(%run_scoped3A : memref<!tpu.dma_semaphore, #tpu.memory_space<semaphore_mem>>)
      %dma_wait3A = arith.constant 0 : i32
      %dma_wait3A_101 = arith.constant 0 : i32
      %dma_wait3A_102 = tpu.memref_slice %arg3[%arg0, %arg1, %dma_wait3A, %dma_wait3A_101] : memref<2x16x79x128xi32, #tpu.memory_space<hbm>> -> memref<1x1x79x128xi32, #tpu.memory_space<hbm>>
      %dma_wait3A_103 = tpu.memref_squeeze %dma_wait3A_102 : memref<1x1x79x128xi32, #tpu.memory_space<hbm>> -> memref<79x128xi32, #tpu.memory_space<hbm>>
      %dma_wait3A_104 = arith.constant 0 : i32
      %dma_wait3A_105 = arith.constant 0 : i32
      %dma_wait3A_106 = tpu.memref_slice %arg3[%arg0, %arg1, %dma_wait3A_104, %dma_wait3A_105] : memref<2x16x79x128xi32, #tpu.memory_space<hbm>> -> memref<1x1x79x128xi32, #tpu.memory_space<hbm>>
      %dma_wait3A_107 = tpu.memref_squeeze %dma_wait3A_106 : memref<1x1x79x128xi32, #tpu.memory_space<hbm>> -> memref<79x128xi32, #tpu.memory_space<hbm>>
      tpu.wait_dma2 semaphore(%run_scoped3A : memref<!tpu.dma_semaphore, #tpu.memory_space<semaphore_mem>>) src(%dma_wait3A_107 : memref<79x128xi32, #tpu.memory_space<hbm>>) dst(%arg6 : memref<79x128xi32, #tpu.memory_space<vmem>>)
      tpu.yield
    }) : () -> ()
    "tpu.region"() ({
      %run_scoped3A = tpu.sem_alloc : memref<!tpu.dma_semaphore, #tpu.memory_space<semaphore_mem>>
      %dma_start3A = arith.constant 0 : i32
      %dma_start3A_94 = arith.constant 0 : i32
      %dma_start3A_95 = tpu.memref_slice %arg4[%arg1, %dma_start3A, %dma_start3A_94] : memref<16x79x128xi32, #tpu.memory_space<hbm>> -> memref<1x79x128xi32, #tpu.memory_space<hbm>>
      %dma_start3A_96 = tpu.memref_squeeze %dma_start3A_95 : memref<1x79x128xi32, #tpu.memory_space<hbm>> -> memref<79x128xi32, #tpu.memory_space<hbm>>
      %dma_start3A_97 = arith.constant 0 : i32
      %dma_start3A_98 = arith.constant 0 : i32
      %dma_start3A_99 = tpu.memref_slice %arg4[%arg1, %dma_start3A_97, %dma_start3A_98] : memref<16x79x128xi32, #tpu.memory_space<hbm>> -> memref<1x79x128xi32, #tpu.memory_space<hbm>>
      %dma_start3A_100 = tpu.memref_squeeze %dma_start3A_99 : memref<1x79x128xi32, #tpu.memory_space<hbm>> -> memref<79x128xi32, #tpu.memory_space<hbm>>
      tpu.enqueue_dma source(%dma_start3A_100 : memref<79x128xi32, #tpu.memory_space<hbm>>) target(%arg7 : memref<79x128xi32, #tpu.memory_space<vmem>>) target_semaphore(%run_scoped3A : memref<!tpu.dma_semaphore, #tpu.memory_space<semaphore_mem>>)
      %dma_wait3A = arith.constant 0 : i32
      %dma_wait3A_101 = arith.constant 0 : i32
      %dma_wait3A_102 = tpu.memref_slice %arg4[%arg1, %dma_wait3A, %dma_wait3A_101] : memref<16x79x128xi32, #tpu.memory_space<hbm>> -> memref<1x79x128xi32, #tpu.memory_space<hbm>>
      %dma_wait3A_103 = tpu.memref_squeeze %dma_wait3A_102 : memref<1x79x128xi32, #tpu.memory_space<hbm>> -> memref<79x128xi32, #tpu.memory_space<hbm>>
      %dma_wait3A_104 = arith.constant 0 : i32
      %dma_wait3A_105 = arith.constant 0 : i32
      %dma_wait3A_106 = tpu.memref_slice %arg4[%arg1, %dma_wait3A_104, %dma_wait3A_105] : memref<16x79x128xi32, #tpu.memory_space<hbm>> -> memref<1x79x128xi32, #tpu.memory_space<hbm>>
      %dma_wait3A_107 = tpu.memref_squeeze %dma_wait3A_106 : memref<1x79x128xi32, #tpu.memory_space<hbm>> -> memref<79x128xi32, #tpu.memory_space<hbm>>
      tpu.wait_dma2 semaphore(%run_scoped3A : memref<!tpu.dma_semaphore, #tpu.memory_space<semaphore_mem>>) src(%dma_wait3A_107 : memref<79x128xi32, #tpu.memory_space<hbm>>) dst(%arg7 : memref<79x128xi32, #tpu.memory_space<vmem>>)
      tpu.yield
    }) : () -> ()
    %scan3A_83 = arith.constant 0 : i32
    %scan3A_84 = arith.constant 0 : i32
    %scan3A_85 = arith.constant 79 : i32
    %scan3A_86 = arith.addi %scan3A_84, %scan3A_85 : i32
    %scan3A_87 = arith.constant 1 : i32
    scf.for %scan3A_94 = %scan3A_84 to %scan3A_86 step %scan3A_87  : i32 {
      "tpu.region"() ({
        %run_scoped3A = tpu.sem_alloc : memref<!tpu.dma_semaphore, #tpu.memory_space<semaphore_mem>>
        %dma_start3A = arith.constant 0 : i32
        %dma_start3A_95 = tpu.memref_slice %arg6[%scan3A_94, %dma_start3A] : memref<79x128xi32, #tpu.memory_space<vmem>> -> memref<1x128xi32, #tpu.memory_space<vmem>>
        %dma_start3A_96 = tpu.memref_squeeze %dma_start3A_95 : memref<1x128xi32, #tpu.memory_space<vmem>> -> memref<128xi32, #tpu.memory_space<vmem>>
        %dma_start3A_97 = arith.constant 0 : i32
        %dma_start3A_98 = arith.constant 0 : i32
        %dma_start3A_99 = tpu.memref_slice %arg2[%dma_start3A_97, %dma_start3A_98] : memref<20016x128xf32, #tpu.memory_space<hbm>> -> memref<20016x128xf32, #tpu.memory_space<hbm>>
        tpu.enqueue_indirect_dma source(%dma_start3A_99 : memref<20016x128xf32, #tpu.memory_space<hbm>>) target(%arg8 : memref<128x128xf32, #tpu.memory_space<vmem>>) offsets(%dma_start3A_96 : memref<128xi32, #tpu.memory_space<vmem>>) semaphore(%run_scoped3A : memref<!tpu.dma_semaphore, #tpu.memory_space<semaphore_mem>>)
        %dma_wait3A = arith.constant 0 : i32
        %dma_wait3A_100 = tpu.memref_slice %arg6[%scan3A_94, %dma_wait3A] : memref<79x128xi32, #tpu.memory_space<vmem>> -> memref<1x128xi32, #tpu.memory_space<vmem>>
        %dma_wait3A_101 = tpu.memref_squeeze %dma_wait3A_100 : memref<1x128xi32, #tpu.memory_space<vmem>> -> memref<128xi32, #tpu.memory_space<vmem>>
        %dma_wait3A_102 = arith.constant 0 : i32
        %dma_wait3A_103 = arith.constant 0 : i32
        %dma_wait3A_104 = tpu.memref_slice %arg2[%dma_wait3A_102, %dma_wait3A_103] : memref<20016x128xf32, #tpu.memory_space<hbm>> -> memref<20016x128xf32, #tpu.memory_space<hbm>>
        tpu.wait_indirect_dma semaphore(%run_scoped3A : memref<!tpu.dma_semaphore, #tpu.memory_space<semaphore_mem>>) src(%dma_wait3A_104 : memref<20016x128xf32, #tpu.memory_space<hbm>>) dst(%arg8 : memref<128x128xf32, #tpu.memory_space<vmem>>)
        tpu.yield
      }) : () -> ()
      "tpu.region"() ({
        %run_scoped3A = tpu.sem_alloc : memref<!tpu.dma_semaphore, #tpu.memory_space<semaphore_mem>>
        %dma_start3A = arith.constant 0 : i32
        %dma_start3A_95 = tpu.memref_slice %arg7[%scan3A_94, %dma_start3A] : memref<79x128xi32, #tpu.memory_space<vmem>> -> memref<1x128xi32, #tpu.memory_space<vmem>>
        %dma_start3A_96 = tpu.memref_squeeze %dma_start3A_95 : memref<1x128xi32, #tpu.memory_space<vmem>> -> memref<128xi32, #tpu.memory_space<vmem>>
        %dma_start3A_97 = arith.constant 0 : i32
        %dma_start3A_98 = arith.constant 0 : i32
        %dma_start3A_99 = tpu.memref_slice %arg10[%dma_start3A_97, %dma_start3A_98] : memref<10240x128xf32, #tpu.memory_space<vmem_shared>> -> memref<10240x128xf32, #tpu.memory_space<vmem_shared>>
        tpu.enqueue_indirect_dma source(%arg8 : memref<128x128xf32, #tpu.memory_space<vmem>>) target(%dma_start3A_99 : memref<10240x128xf32, #tpu.memory_space<vmem_shared>>) offsets(%dma_start3A_96 : memref<128xi32, #tpu.memory_space<vmem>>) semaphore(%run_scoped3A : memref<!tpu.dma_semaphore, #tpu.memory_space<semaphore_mem>>) {add = true}
        %dma_wait3A = arith.constant 0 : i32
        %dma_wait3A_100 = tpu.memref_slice %arg7[%scan3A_94, %dma_wait3A] : memref<79x128xi32, #tpu.memory_space<vmem>> -> memref<1x128xi32, #tpu.memory_space<vmem>>
        %dma_wait3A_101 = tpu.memref_squeeze %dma_wait3A_100 : memref<1x128xi32, #tpu.memory_space<vmem>> -> memref<128xi32, #tpu.memory_space<vmem>>
        %dma_wait3A_102 = arith.constant 0 : i32
        %dma_wait3A_103 = arith.constant 0 : i32
        %dma_wait3A_104 = tpu.memref_slice %arg10[%dma_wait3A_102, %dma_wait3A_103] : memref<10240x128xf32, #tpu.memory_space<vmem_shared>> -> memref<10240x128xf32, #tpu.memory_space<vmem_shared>>
        tpu.wait_indirect_dma semaphore(%run_scoped3A : memref<!tpu.dma_semaphore, #tpu.memory_space<semaphore_mem>>) src(%arg8 : memref<128x128xf32, #tpu.memory_space<vmem>>) dst(%dma_wait3A_104 : memref<10240x128xf32, #tpu.memory_space<vmem_shared>>)
        tpu.yield
      }) : () -> ()
    }
    %scan3A_88 = arith.constant 79 : i32
    %barrier3A_89 = arith.constant 0 : index
    tpu.barrier barrier_id(%barrier3A_89)
    %mul3A_90 = arith.constant 640 : i32
    %mul3A_91 = arith.muli %arg1, %mul3A_90 : i32
    %mul3A_92 = arith.constant 640 : i32
    %mul3A_93 = arith.muli %arg1, %mul3A_92 : i32
    "tpu.region"() ({
      %run_scoped3A = tpu.sem_alloc : memref<!tpu.dma_semaphore, #tpu.memory_space<semaphore_mem>>
      %dma_start3A = arith.constant 0 : i32
      %dma_start3A_94 = tpu.memref_slice %arg5[%arg0, %mul3A_93, %dma_start3A] : memref<2x10240x128xf32, #tpu.memory_space<hbm>> -> memref<1x640x128xf32, #tpu.memory_space<hbm>>
      %dma_start3A_95 = tpu.memref_squeeze %dma_start3A_94 : memref<1x640x128xf32, #tpu.memory_space<hbm>> -> memref<640x128xf32, #tpu.memory_space<hbm>>
      %dma_start3A_96 = arith.constant 0 : i32
      %dma_start3A_97 = tpu.memref_slice %arg10[%mul3A_91, %dma_start3A_96] : memref<10240x128xf32, #tpu.memory_space<vmem_shared>> -> memref<640x128xf32, #tpu.memory_space<vmem_shared>>
      tpu.enqueue_dma source(%dma_start3A_97 : memref<640x128xf32, #tpu.memory_space<vmem_shared>>) target(%dma_start3A_95 : memref<640x128xf32, #tpu.memory_space<hbm>>) target_semaphore(%run_scoped3A : memref<!tpu.dma_semaphore, #tpu.memory_space<semaphore_mem>>)
      %dma_wait3A = arith.constant 0 : i32
      %dma_wait3A_98 = tpu.memref_slice %arg5[%arg0, %mul3A_93, %dma_wait3A] : memref<2x10240x128xf32, #tpu.memory_space<hbm>> -> memref<1x640x128xf32, #tpu.memory_space<hbm>>
      %dma_wait3A_99 = tpu.memref_squeeze %dma_wait3A_98 : memref<1x640x128xf32, #tpu.memory_space<hbm>> -> memref<640x128xf32, #tpu.memory_space<hbm>>
      %dma_wait3A_100 = arith.constant 0 : i32
      %dma_wait3A_101 = tpu.memref_slice %arg10[%mul3A_91, %dma_wait3A_100] : memref<10240x128xf32, #tpu.memory_space<vmem_shared>> -> memref<640x128xf32, #tpu.memory_space<vmem_shared>>
      tpu.wait_dma2 semaphore(%run_scoped3A : memref<!tpu.dma_semaphore, #tpu.memory_space<semaphore_mem>>) src(%dma_wait3A_101 : memref<640x128xf32, #tpu.memory_space<vmem_shared>>) dst(%dma_wait3A_99 : memref<640x128xf32, #tpu.memory_space<hbm>>)
      tpu.yield
    }) : () -> ()
    return
  }
}

#map = affine_map<(d0, d1) -> (0, 0, 0, 0)>
#map1 = affine_map<(d0, d1) -> (0, 0, 0)>
module attributes {stable_mosaic.version = 14 : i64} {
  func.func @_deg_body(%arg0: i32, %arg1: i32, %arg2: memref<2x16x79x128xi32, #tpu.memory_space<hbm>>, %arg3: memref<2x10240x128xf32, #tpu.memory_space<hbm>>, %arg4: memref<79x128xi32, #tpu.memory_space<vmem>>, %arg5: memref<128x128xf32, #tpu.memory_space<vmem>>, %arg6: memref<32x128xf32, #tpu.memory_space<vmem>>, %arg7: memref<10240x128xf32, #tpu.memory_space<vmem_shared>>) attributes {dimension_semantics = [#tpu.dimension_semantics<core_parallel>, #tpu.dimension_semantics<subcore_parallel>], iteration_bounds = array<i64: 2, 16>, scalar_prefetch = 0 : i64, scratch_operands = 4 : i64, tpu.core_type = #tpu.core_type<sc_vector_subcore>, window_params = [{transform_indices = #map}, {transform_indices = #map1}]} {
    %scan3A = arith.constant 0 : i32
    %scan3A_0 = arith.constant 0 : i32
    %scan3A_1 = arith.constant 32 : i32
    %scan3A_2 = arith.addi %scan3A_0, %scan3A_1 : i32
    %scan3A_3 = arith.constant 1 : i32
    scf.for %scan3A_100 = %scan3A_0 to %scan3A_2 step %scan3A_3  : i32 {
      %broadcast_in_dim3A = arith.constant 0.000000e+00 : f32
      %broadcast_in_dim3A_101 = vector.broadcast %broadcast_in_dim3A : f32 to vector<16xf32>
      %swap3A = arith.index_cast %scan3A_100 : i32 to index
      %swap3A_102 = arith.constant 0 : index
      %swap3A_103 = tpu.vector_load %arg6[%swap3A, %swap3A_102] {strides = array<i32>} : memref<32x128xf32, #tpu.memory_space<vmem>>, vector<1x16xf32>,
      %swap3A_104 = vector.shape_cast %swap3A_103 : vector<1x16xf32> to vector<16xf32>
      %swap3A_105 = vector.shape_cast %broadcast_in_dim3A_101 : vector<16xf32> to vector<1x16xf32>
      tpu.vector_store %arg6[%swap3A, %swap3A_102], %swap3A_105 {strides = array<i32>} : memref<32x128xf32, #tpu.memory_space<vmem>>, vector<1x16xf32>,
      %broadcast_in_dim3A_106 = arith.constant 0.000000e+00 : f32
      %broadcast_in_dim3A_107 = vector.broadcast %broadcast_in_dim3A_106 : f32 to vector<16xf32>
      %swap3A_108 = arith.index_cast %scan3A_100 : i32 to index
      %swap3A_109 = arith.constant 16 : index
      %swap3A_110 = tpu.vector_load %arg6[%swap3A_108, %swap3A_109] {strides = array<i32>} : memref<32x128xf32, #tpu.memory_space<vmem>>, vector<1x16xf32>,
      %swap3A_111 = vector.shape_cast %swap3A_110 : vector<1x16xf32> to vector<16xf32>
      %swap3A_112 = vector.shape_cast %broadcast_in_dim3A_107 : vector<16xf32> to vector<1x16xf32>
      tpu.vector_store %arg6[%swap3A_108, %swap3A_109], %swap3A_112 {strides = array<i32>} : memref<32x128xf32, #tpu.memory_space<vmem>>, vector<1x16xf32>,
      %broadcast_in_dim3A_113 = arith.constant 0.000000e+00 : f32
      %broadcast_in_dim3A_114 = vector.broadcast %broadcast_in_dim3A_113 : f32 to vector<16xf32>
      %swap3A_115 = arith.index_cast %scan3A_100 : i32 to index
      %swap3A_116 = arith.constant 32 : index
      %swap3A_117 = tpu.vector_load %arg6[%swap3A_115, %swap3A_116] {strides = array<i32>} : memref<32x128xf32, #tpu.memory_space<vmem>>, vector<1x16xf32>,
      %swap3A_118 = vector.shape_cast %swap3A_117 : vector<1x16xf32> to vector<16xf32>
      %swap3A_119 = vector.shape_cast %broadcast_in_dim3A_114 : vector<16xf32> to vector<1x16xf32>
      tpu.vector_store %arg6[%swap3A_115, %swap3A_116], %swap3A_119 {strides = array<i32>} : memref<32x128xf32, #tpu.memory_space<vmem>>, vector<1x16xf32>,
      %broadcast_in_dim3A_120 = arith.constant 0.000000e+00 : f32
      %broadcast_in_dim3A_121 = vector.broadcast %broadcast_in_dim3A_120 : f32 to vector<16xf32>
      %swap3A_122 = arith.index_cast %scan3A_100 : i32 to index
      %swap3A_123 = arith.constant 48 : index
      %swap3A_124 = tpu.vector_load %arg6[%swap3A_122, %swap3A_123] {strides = array<i32>} : memref<32x128xf32, #tpu.memory_space<vmem>>, vector<1x16xf32>,
      %swap3A_125 = vector.shape_cast %swap3A_124 : vector<1x16xf32> to vector<16xf32>
      %swap3A_126 = vector.shape_cast %broadcast_in_dim3A_121 : vector<16xf32> to vector<1x16xf32>
      tpu.vector_store %arg6[%swap3A_122, %swap3A_123], %swap3A_126 {strides = array<i32>} : memref<32x128xf32, #tpu.memory_space<vmem>>, vector<1x16xf32>,
      %broadcast_in_dim3A_127 = arith.constant 0.000000e+00 : f32
      %broadcast_in_dim3A_128 = vector.broadcast %broadcast_in_dim3A_127 : f32 to vector<16xf32>
      %swap3A_129 = arith.index_cast %scan3A_100 : i32 to index
      %swap3A_130 = arith.constant 64 : index
      %swap3A_131 = tpu.vector_load %arg6[%swap3A_129, %swap3A_130] {strides = array<i32>} : memref<32x128xf32, #tpu.memory_space<vmem>>, vector<1x16xf32>,
      %swap3A_132 = vector.shape_cast %swap3A_131 : vector<1x16xf32> to vector<16xf32>
      %swap3A_133 = vector.shape_cast %broadcast_in_dim3A_128 : vector<16xf32> to vector<1x16xf32>
      tpu.vector_store %arg6[%swap3A_129, %swap3A_130], %swap3A_133 {strides = array<i32>} : memref<32x128xf32, #tpu.memory_space<vmem>>, vector<1x16xf32>,
      %broadcast_in_dim3A_134 = arith.constant 0.000000e+00 : f32
      %broadcast_in_dim3A_135 = vector.broadcast %broadcast_in_dim3A_134 : f32 to vector<16xf32>
      %swap3A_136 = arith.index_cast %scan3A_100 : i32 to index
      %swap3A_137 = arith.constant 80 : index
      %swap3A_138 = tpu.vector_load %arg6[%swap3A_136, %swap3A_137] {strides = array<i32>} : memref<32x128xf32, #tpu.memory_space<vmem>>, vector<1x16xf32>,
      %swap3A_139 = vector.shape_cast %swap3A_138 : vector<1x16xf32> to vector<16xf32>
      %swap3A_140 = vector.shape_cast %broadcast_in_dim3A_135 : vector<16xf32> to vector<1x16xf32>
      tpu.vector_store %arg6[%swap3A_136, %swap3A_137], %swap3A_140 {strides = array<i32>} : memref<32x128xf32, #tpu.memory_space<vmem>>, vector<1x16xf32>,
      %broadcast_in_dim3A_141 = arith.constant 0.000000e+00 : f32
      %broadcast_in_dim3A_142 = vector.broadcast %broadcast_in_dim3A_141 : f32 to vector<16xf32>
      %swap3A_143 = arith.index_cast %scan3A_100 : i32 to index
      %swap3A_144 = arith.constant 96 : index
      %swap3A_145 = tpu.vector_load %arg6[%swap3A_143, %swap3A_144] {strides = array<i32>} : memref<32x128xf32, #tpu.memory_space<vmem>>, vector<1x16xf32>,
      %swap3A_146 = vector.shape_cast %swap3A_145 : vector<1x16xf32> to vector<16xf32>
      %swap3A_147 = vector.shape_cast %broadcast_in_dim3A_142 : vector<16xf32> to vector<1x16xf32>
      tpu.vector_store %arg6[%swap3A_143, %swap3A_144], %swap3A_147 {strides = array<i32>} : memref<32x128xf32, #tpu.memory_space<vmem>>, vector<1x16xf32>,
      %broadcast_in_dim3A_148 = arith.constant 0.000000e+00 : f32
      %broadcast_in_dim3A_149 = vector.broadcast %broadcast_in_dim3A_148 : f32 to vector<16xf32>
      %swap3A_150 = arith.index_cast %scan3A_100 : i32 to index
      %swap3A_151 = arith.constant 112 : index
      %swap3A_152 = tpu.vector_load %arg6[%swap3A_150, %swap3A_151] {strides = array<i32>} : memref<32x128xf32, #tpu.memory_space<vmem>>, vector<1x16xf32>,
      %swap3A_153 = vector.shape_cast %swap3A_152 : vector<1x16xf32> to vector<16xf32>
      %swap3A_154 = vector.shape_cast %broadcast_in_dim3A_149 : vector<16xf32> to vector<1x16xf32>
      tpu.vector_store %arg6[%swap3A_150, %swap3A_151], %swap3A_154 {strides = array<i32>} : memref<32x128xf32, #tpu.memory_space<vmem>>, vector<1x16xf32>,
    }
    %scan3A_4 = arith.constant 32 : i32
    %scan3A_5 = arith.constant 0 : i32
    %scan3A_6 = arith.constant 0 : i32
    %scan3A_7 = arith.constant 128 : i32
    %scan3A_8 = arith.addi %scan3A_6, %scan3A_7 : i32
    %scan3A_9 = arith.constant 1 : i32
    scf.for %scan3A_100 = %scan3A_6 to %scan3A_8 step %scan3A_9  : i32 {
      %broadcast_in_dim3A = arith.constant 1.000000e+00 : f32
      %broadcast_in_dim3A_101 = vector.broadcast %broadcast_in_dim3A : f32 to vector<16xf32>
      %swap3A = arith.index_cast %scan3A_100 : i32 to index
      %swap3A_102 = arith.constant 0 : index
      %swap3A_103 = tpu.vector_load %arg5[%swap3A, %swap3A_102] {strides = array<i32>} : memref<128x128xf32, #tpu.memory_space<vmem>>, vector<1x16xf32>,
      %swap3A_104 = vector.shape_cast %swap3A_103 : vector<1x16xf32> to vector<16xf32>
      %swap3A_105 = vector.shape_cast %broadcast_in_dim3A_101 : vector<16xf32> to vector<1x16xf32>
      tpu.vector_store %arg5[%swap3A, %swap3A_102], %swap3A_105 {strides = array<i32>} : memref<128x128xf32, #tpu.memory_space<vmem>>, vector<1x16xf32>,
      %broadcast_in_dim3A_106 = arith.constant 1.000000e+00 : f32
      %broadcast_in_dim3A_107 = vector.broadcast %broadcast_in_dim3A_106 : f32 to vector<16xf32>
      %swap3A_108 = arith.index_cast %scan3A_100 : i32 to index
      %swap3A_109 = arith.constant 16 : index
      %swap3A_110 = tpu.vector_load %arg5[%swap3A_108, %swap3A_109] {strides = array<i32>} : memref<128x128xf32, #tpu.memory_space<vmem>>, vector<1x16xf32>,
      %swap3A_111 = vector.shape_cast %swap3A_110 : vector<1x16xf32> to vector<16xf32>
      %swap3A_112 = vector.shape_cast %broadcast_in_dim3A_107 : vector<16xf32> to vector<1x16xf32>
      tpu.vector_store %arg5[%swap3A_108, %swap3A_109], %swap3A_112 {strides = array<i32>} : memref<128x128xf32, #tpu.memory_space<vmem>>, vector<1x16xf32>,
      %broadcast_in_dim3A_113 = arith.constant 1.000000e+00 : f32
      %broadcast_in_dim3A_114 = vector.broadcast %broadcast_in_dim3A_113 : f32 to vector<16xf32>
      %swap3A_115 = arith.index_cast %scan3A_100 : i32 to index
      %swap3A_116 = arith.constant 32 : index
      %swap3A_117 = tpu.vector_load %arg5[%swap3A_115, %swap3A_116] {strides = array<i32>} : memref<128x128xf32, #tpu.memory_space<vmem>>, vector<1x16xf32>,
      %swap3A_118 = vector.shape_cast %swap3A_117 : vector<1x16xf32> to vector<16xf32>
      %swap3A_119 = vector.shape_cast %broadcast_in_dim3A_114 : vector<16xf32> to vector<1x16xf32>
      tpu.vector_store %arg5[%swap3A_115, %swap3A_116], %swap3A_119 {strides = array<i32>} : memref<128x128xf32, #tpu.memory_space<vmem>>, vector<1x16xf32>,
      %broadcast_in_dim3A_120 = arith.constant 1.000000e+00 : f32
      %broadcast_in_dim3A_121 = vector.broadcast %broadcast_in_dim3A_120 : f32 to vector<16xf32>
      %swap3A_122 = arith.index_cast %scan3A_100 : i32 to index
      %swap3A_123 = arith.constant 48 : index
      %swap3A_124 = tpu.vector_load %arg5[%swap3A_122, %swap3A_123] {strides = array<i32>} : memref<128x128xf32, #tpu.memory_space<vmem>>, vector<1x16xf32>,
      %swap3A_125 = vector.shape_cast %swap3A_124 : vector<1x16xf32> to vector<16xf32>
      %swap3A_126 = vector.shape_cast %broadcast_in_dim3A_121 : vector<16xf32> to vector<1x16xf32>
      tpu.vector_store %arg5[%swap3A_122, %swap3A_123], %swap3A_126 {strides = array<i32>} : memref<128x128xf32, #tpu.memory_space<vmem>>, vector<1x16xf32>,
      %broadcast_in_dim3A_127 = arith.constant 1.000000e+00 : f32
      %broadcast_in_dim3A_128 = vector.broadcast %broadcast_in_dim3A_127 : f32 to vector<16xf32>
      %swap3A_129 = arith.index_cast %scan3A_100 : i32 to index
      %swap3A_130 = arith.constant 64 : index
      %swap3A_131 = tpu.vector_load %arg5[%swap3A_129, %swap3A_130] {strides = array<i32>} : memref<128x128xf32, #tpu.memory_space<vmem>>, vector<1x16xf32>,
      %swap3A_132 = vector.shape_cast %swap3A_131 : vector<1x16xf32> to vector<16xf32>
      %swap3A_133 = vector.shape_cast %broadcast_in_dim3A_128 : vector<16xf32> to vector<1x16xf32>
      tpu.vector_store %arg5[%swap3A_129, %swap3A_130], %swap3A_133 {strides = array<i32>} : memref<128x128xf32, #tpu.memory_space<vmem>>, vector<1x16xf32>,
      %broadcast_in_dim3A_134 = arith.constant 1.000000e+00 : f32
      %broadcast_in_dim3A_135 = vector.broadcast %broadcast_in_dim3A_134 : f32 to vector<16xf32>
      %swap3A_136 = arith.index_cast %scan3A_100 : i32 to index
      %swap3A_137 = arith.constant 80 : index
      %swap3A_138 = tpu.vector_load %arg5[%swap3A_136, %swap3A_137] {strides = array<i32>} : memref<128x128xf32, #tpu.memory_space<vmem>>, vector<1x16xf32>,
      %swap3A_139 = vector.shape_cast %swap3A_138 : vector<1x16xf32> to vector<16xf32>
      %swap3A_140 = vector.shape_cast %broadcast_in_dim3A_135 : vector<16xf32> to vector<1x16xf32>
      tpu.vector_store %arg5[%swap3A_136, %swap3A_137], %swap3A_140 {strides = array<i32>} : memref<128x128xf32, #tpu.memory_space<vmem>>, vector<1x16xf32>,
      %broadcast_in_dim3A_141 = arith.constant 1.000000e+00 : f32
      %broadcast_in_dim3A_142 = vector.broadcast %broadcast_in_dim3A_141 : f32 to vector<16xf32>
      %swap3A_143 = arith.index_cast %scan3A_100 : i32 to index
      %swap3A_144 = arith.constant 96 : index
      %swap3A_145 = tpu.vector_load %arg5[%swap3A_143, %swap3A_144] {strides = array<i32>} : memref<128x128xf32, #tpu.memory_space<vmem>>, vector<1x16xf32>,
      %swap3A_146 = vector.shape_cast %swap3A_145 : vector<1x16xf32> to vector<16xf32>
      %swap3A_147 = vector.shape_cast %broadcast_in_dim3A_142 : vector<16xf32> to vector<1x16xf32>
      tpu.vector_store %arg5[%swap3A_143, %swap3A_144], %swap3A_147 {strides = array<i32>} : memref<128x128xf32, #tpu.memory_space<vmem>>, vector<1x16xf32>,
      %broadcast_in_dim3A_148 = arith.constant 1.000000e+00 : f32
      %broadcast_in_dim3A_149 = vector.broadcast %broadcast_in_dim3A_148 : f32 to vector<16xf32>
      %swap3A_150 = arith.index_cast %scan3A_100 : i32 to index
      %swap3A_151 = arith.constant 112 : index
      %swap3A_152 = tpu.vector_load %arg5[%swap3A_150, %swap3A_151] {strides = array<i32>} : memref<128x128xf32, #tpu.memory_space<vmem>>, vector<1x16xf32>,
      %swap3A_153 = vector.shape_cast %swap3A_152 : vector<1x16xf32> to vector<16xf32>
      %swap3A_154 = vector.shape_cast %broadcast_in_dim3A_149 : vector<16xf32> to vector<1x16xf32>
      tpu.vector_store %arg5[%swap3A_150, %swap3A_151], %swap3A_154 {strides = array<i32>} : memref<128x128xf32, #tpu.memory_space<vmem>>, vector<1x16xf32>,
    }
    %scan3A_10 = arith.constant 128 : i32
    %mul3A = arith.constant 640 : i32
    %mul3A_11 = arith.muli %arg1, %mul3A : i32
    %add3A = arith.constant 0 : i32
    %add3A_12 = arith.addi %mul3A_11, %add3A : i32
    "tpu.region"() ({
      %run_scoped3A = tpu.sem_alloc : memref<!tpu.dma_semaphore, #tpu.memory_space<semaphore_mem>>
      %dma_start3A = arith.constant 0 : i32
      %dma_start3A_100 = tpu.memref_slice %arg7[%add3A_12, %dma_start3A] : memref<10240x128xf32, #tpu.memory_space<vmem_shared>> -> memref<32x128xf32, #tpu.memory_space<vmem_shared>>
      %dma_start3A_101 = arith.constant 0 : i32
      %dma_start3A_102 = tpu.memref_slice %arg7[%add3A_12, %dma_start3A_101] : memref<10240x128xf32, #tpu.memory_space<vmem_shared>> -> memref<32x128xf32, #tpu.memory_space<vmem_shared>>
      tpu.enqueue_dma source(%arg6 : memref<32x128xf32, #tpu.memory_space<vmem>>) target(%dma_start3A_102 : memref<32x128xf32, #tpu.memory_space<vmem_shared>>) target_semaphore(%run_scoped3A : memref<!tpu.dma_semaphore, #tpu.memory_space<semaphore_mem>>)
      %dma_wait3A = arith.constant 0 : i32
      %dma_wait3A_103 = tpu.memref_slice %arg7[%add3A_12, %dma_wait3A] : memref<10240x128xf32, #tpu.memory_space<vmem_shared>> -> memref<32x128xf32, #tpu.memory_space<vmem_shared>>
      %dma_wait3A_104 = arith.constant 0 : i32
      %dma_wait3A_105 = tpu.memref_slice %arg7[%add3A_12, %dma_wait3A_104] : memref<10240x128xf32, #tpu.memory_space<vmem_shared>> -> memref<32x128xf32, #tpu.memory_space<vmem_shared>>
      tpu.wait_dma2 semaphore(%run_scoped3A : memref<!tpu.dma_semaphore, #tpu.memory_space<semaphore_mem>>) src(%arg6 : memref<32x128xf32, #tpu.memory_space<vmem>>) dst(%dma_wait3A_105 : memref<32x128xf32, #tpu.memory_space<vmem_shared>>)
      tpu.yield
    }) : () -> ()
    %mul3A_13 = arith.constant 640 : i32
    %mul3A_14 = arith.muli %arg1, %mul3A_13 : i32
    %add3A_15 = arith.constant 32 : i32
    %add3A_16 = arith.addi %mul3A_14, %add3A_15 : i32
    "tpu.region"() ({
      %run_scoped3A = tpu.sem_alloc : memref<!tpu.dma_semaphore, #tpu.memory_space<semaphore_mem>>
      %dma_start3A = arith.constant 0 : i32
      %dma_start3A_100 = tpu.memref_slice %arg7[%add3A_16, %dma_start3A] : memref<10240x128xf32, #tpu.memory_space<vmem_shared>> -> memref<32x128xf32, #tpu.memory_space<vmem_shared>>
      %dma_start3A_101 = arith.constant 0 : i32
      %dma_start3A_102 = tpu.memref_slice %arg7[%add3A_16, %dma_start3A_101] : memref<10240x128xf32, #tpu.memory_space<vmem_shared>> -> memref<32x128xf32, #tpu.memory_space<vmem_shared>>
      tpu.enqueue_dma source(%arg6 : memref<32x128xf32, #tpu.memory_space<vmem>>) target(%dma_start3A_102 : memref<32x128xf32, #tpu.memory_space<vmem_shared>>) target_semaphore(%run_scoped3A : memref<!tpu.dma_semaphore, #tpu.memory_space<semaphore_mem>>)
      %dma_wait3A = arith.constant 0 : i32
      %dma_wait3A_103 = tpu.memref_slice %arg7[%add3A_16, %dma_wait3A] : memref<10240x128xf32, #tpu.memory_space<vmem_shared>> -> memref<32x128xf32, #tpu.memory_space<vmem_shared>>
      %dma_wait3A_104 = arith.constant 0 : i32
      %dma_wait3A_105 = tpu.memref_slice %arg7[%add3A_16, %dma_wait3A_104] : memref<10240x128xf32, #tpu.memory_space<vmem_shared>> -> memref<32x128xf32, #tpu.memory_space<vmem_shared>>
      tpu.wait_dma2 semaphore(%run_scoped3A : memref<!tpu.dma_semaphore, #tpu.memory_space<semaphore_mem>>) src(%arg6 : memref<32x128xf32, #tpu.memory_space<vmem>>) dst(%dma_wait3A_105 : memref<32x128xf32, #tpu.memory_space<vmem_shared>>)
      tpu.yield
    }) : () -> ()
    %mul3A_17 = arith.constant 640 : i32
    %mul3A_18 = arith.muli %arg1, %mul3A_17 : i32
    %add3A_19 = arith.constant 64 : i32
    %add3A_20 = arith.addi %mul3A_18, %add3A_19 : i32
    "tpu.region"() ({
      %run_scoped3A = tpu.sem_alloc : memref<!tpu.dma_semaphore, #tpu.memory_space<semaphore_mem>>
      %dma_start3A = arith.constant 0 : i32
      %dma_start3A_100 = tpu.memref_slice %arg7[%add3A_20, %dma_start3A] : memref<10240x128xf32, #tpu.memory_space<vmem_shared>> -> memref<32x128xf32, #tpu.memory_space<vmem_shared>>
      %dma_start3A_101 = arith.constant 0 : i32
      %dma_start3A_102 = tpu.memref_slice %arg7[%add3A_20, %dma_start3A_101] : memref<10240x128xf32, #tpu.memory_space<vmem_shared>> -> memref<32x128xf32, #tpu.memory_space<vmem_shared>>
      tpu.enqueue_dma source(%arg6 : memref<32x128xf32, #tpu.memory_space<vmem>>) target(%dma_start3A_102 : memref<32x128xf32, #tpu.memory_space<vmem_shared>>) target_semaphore(%run_scoped3A : memref<!tpu.dma_semaphore, #tpu.memory_space<semaphore_mem>>)
      %dma_wait3A = arith.constant 0 : i32
      %dma_wait3A_103 = tpu.memref_slice %arg7[%add3A_20, %dma_wait3A] : memref<10240x128xf32, #tpu.memory_space<vmem_shared>> -> memref<32x128xf32, #tpu.memory_space<vmem_shared>>
      %dma_wait3A_104 = arith.constant 0 : i32
      %dma_wait3A_105 = tpu.memref_slice %arg7[%add3A_20, %dma_wait3A_104] : memref<10240x128xf32, #tpu.memory_space<vmem_shared>> -> memref<32x128xf32, #tpu.memory_space<vmem_shared>>
      tpu.wait_dma2 semaphore(%run_scoped3A : memref<!tpu.dma_semaphore, #tpu.memory_space<semaphore_mem>>) src(%arg6 : memref<32x128xf32, #tpu.memory_space<vmem>>) dst(%dma_wait3A_105 : memref<32x128xf32, #tpu.memory_space<vmem_shared>>)
      tpu.yield
    }) : () -> ()
    %mul3A_21 = arith.constant 640 : i32
    %mul3A_22 = arith.muli %arg1, %mul3A_21 : i32
    %add3A_23 = arith.constant 96 : i32
    %add3A_24 = arith.addi %mul3A_22, %add3A_23 : i32
    "tpu.region"() ({
      %run_scoped3A = tpu.sem_alloc : memref<!tpu.dma_semaphore, #tpu.memory_space<semaphore_mem>>
      %dma_start3A = arith.constant 0 : i32
      %dma_start3A_100 = tpu.memref_slice %arg7[%add3A_24, %dma_start3A] : memref<10240x128xf32, #tpu.memory_space<vmem_shared>> -> memref<32x128xf32, #tpu.memory_space<vmem_shared>>
      %dma_start3A_101 = arith.constant 0 : i32
      %dma_start3A_102 = tpu.memref_slice %arg7[%add3A_24, %dma_start3A_101] : memref<10240x128xf32, #tpu.memory_space<vmem_shared>> -> memref<32x128xf32, #tpu.memory_space<vmem_shared>>
      tpu.enqueue_dma source(%arg6 : memref<32x128xf32, #tpu.memory_space<vmem>>) target(%dma_start3A_102 : memref<32x128xf32, #tpu.memory_space<vmem_shared>>) target_semaphore(%run_scoped3A : memref<!tpu.dma_semaphore, #tpu.memory_space<semaphore_mem>>)
      %dma_wait3A = arith.constant 0 : i32
      %dma_wait3A_103 = tpu.memref_slice %arg7[%add3A_24, %dma_wait3A] : memref<10240x128xf32, #tpu.memory_space<vmem_shared>> -> memref<32x128xf32, #tpu.memory_space<vmem_shared>>
      %dma_wait3A_104 = arith.constant 0 : i32
      %dma_wait3A_105 = tpu.memref_slice %arg7[%add3A_24, %dma_wait3A_104] : memref<10240x128xf32, #tpu.memory_space<vmem_shared>> -> memref<32x128xf32, #tpu.memory_space<vmem_shared>>
      tpu.wait_dma2 semaphore(%run_scoped3A : memref<!tpu.dma_semaphore, #tpu.memory_space<semaphore_mem>>) src(%arg6 : memref<32x128xf32, #tpu.memory_space<vmem>>) dst(%dma_wait3A_105 : memref<32x128xf32, #tpu.memory_space<vmem_shared>>)
      tpu.yield
    }) : () -> ()
    %mul3A_25 = arith.constant 640 : i32
    %mul3A_26 = arith.muli %arg1, %mul3A_25 : i32
    %add3A_27 = arith.constant 128 : i32
    %add3A_28 = arith.addi %mul3A_26, %add3A_27 : i32
    "tpu.region"() ({
      %run_scoped3A = tpu.sem_alloc : memref<!tpu.dma_semaphore, #tpu.memory_space<semaphore_mem>>
      %dma_start3A = arith.constant 0 : i32
      %dma_start3A_100 = tpu.memref_slice %arg7[%add3A_28, %dma_start3A] : memref<10240x128xf32, #tpu.memory_space<vmem_shared>> -> memref<32x128xf32, #tpu.memory_space<vmem_shared>>
      %dma_start3A_101 = arith.constant 0 : i32
      %dma_start3A_102 = tpu.memref_slice %arg7[%add3A_28, %dma_start3A_101] : memref<10240x128xf32, #tpu.memory_space<vmem_shared>> -> memref<32x128xf32, #tpu.memory_space<vmem_shared>>
      tpu.enqueue_dma source(%arg6 : memref<32x128xf32, #tpu.memory_space<vmem>>) target(%dma_start3A_102 : memref<32x128xf32, #tpu.memory_space<vmem_shared>>) target_semaphore(%run_scoped3A : memref<!tpu.dma_semaphore, #tpu.memory_space<semaphore_mem>>)
      %dma_wait3A = arith.constant 0 : i32
      %dma_wait3A_103 = tpu.memref_slice %arg7[%add3A_28, %dma_wait3A] : memref<10240x128xf32, #tpu.memory_space<vmem_shared>> -> memref<32x128xf32, #tpu.memory_space<vmem_shared>>
      %dma_wait3A_104 = arith.constant 0 : i32
      %dma_wait3A_105 = tpu.memref_slice %arg7[%add3A_28, %dma_wait3A_104] : memref<10240x128xf32, #tpu.memory_space<vmem_shared>> -> memref<32x128xf32, #tpu.memory_space<vmem_shared>>
      tpu.wait_dma2 semaphore(%run_scoped3A : memref<!tpu.dma_semaphore, #tpu.memory_space<semaphore_mem>>) src(%arg6 : memref<32x128xf32, #tpu.memory_space<vmem>>) dst(%dma_wait3A_105 : memref<32x128xf32, #tpu.memory_space<vmem_shared>>)
      tpu.yield
    }) : () -> ()
    %mul3A_29 = arith.constant 640 : i32
    %mul3A_30 = arith.muli %arg1, %mul3A_29 : i32
    %add3A_31 = arith.constant 160 : i32
    %add3A_32 = arith.addi %mul3A_30, %add3A_31 : i32
    "tpu.region"() ({
      %run_scoped3A = tpu.sem_alloc : memref<!tpu.dma_semaphore, #tpu.memory_space<semaphore_mem>>
      %dma_start3A = arith.constant 0 : i32
      %dma_start3A_100 = tpu.memref_slice %arg7[%add3A_32, %dma_start3A] : memref<10240x128xf32, #tpu.memory_space<vmem_shared>> -> memref<32x128xf32, #tpu.memory_space<vmem_shared>>
      %dma_start3A_101 = arith.constant 0 : i32
      %dma_start3A_102 = tpu.memref_slice %arg7[%add3A_32, %dma_start3A_101] : memref<10240x128xf32, #tpu.memory_space<vmem_shared>> -> memref<32x128xf32, #tpu.memory_space<vmem_shared>>
      tpu.enqueue_dma source(%arg6 : memref<32x128xf32, #tpu.memory_space<vmem>>) target(%dma_start3A_102 : memref<32x128xf32, #tpu.memory_space<vmem_shared>>) target_semaphore(%run_scoped3A : memref<!tpu.dma_semaphore, #tpu.memory_space<semaphore_mem>>)
      %dma_wait3A = arith.constant 0 : i32
      %dma_wait3A_103 = tpu.memref_slice %arg7[%add3A_32, %dma_wait3A] : memref<10240x128xf32, #tpu.memory_space<vmem_shared>> -> memref<32x128xf32, #tpu.memory_space<vmem_shared>>
      %dma_wait3A_104 = arith.constant 0 : i32
      %dma_wait3A_105 = tpu.memref_slice %arg7[%add3A_32, %dma_wait3A_104] : memref<10240x128xf32, #tpu.memory_space<vmem_shared>> -> memref<32x128xf32, #tpu.memory_space<vmem_shared>>
      tpu.wait_dma2 semaphore(%run_scoped3A : memref<!tpu.dma_semaphore, #tpu.memory_space<semaphore_mem>>) src(%arg6 : memref<32x128xf32, #tpu.memory_space<vmem>>) dst(%dma_wait3A_105 : memref<32x128xf32, #tpu.memory_space<vmem_shared>>)
      tpu.yield
    }) : () -> ()
    %mul3A_33 = arith.constant 640 : i32
    %mul3A_34 = arith.muli %arg1, %mul3A_33 : i32
    %add3A_35 = arith.constant 192 : i32
    %add3A_36 = arith.addi %mul3A_34, %add3A_35 : i32
    "tpu.region"() ({
      %run_scoped3A = tpu.sem_alloc : memref<!tpu.dma_semaphore, #tpu.memory_space<semaphore_mem>>
      %dma_start3A = arith.constant 0 : i32
      %dma_start3A_100 = tpu.memref_slice %arg7[%add3A_36, %dma_start3A] : memref<10240x128xf32, #tpu.memory_space<vmem_shared>> -> memref<32x128xf32, #tpu.memory_space<vmem_shared>>
      %dma_start3A_101 = arith.constant 0 : i32
      %dma_start3A_102 = tpu.memref_slice %arg7[%add3A_36, %dma_start3A_101] : memref<10240x128xf32, #tpu.memory_space<vmem_shared>> -> memref<32x128xf32, #tpu.memory_space<vmem_shared>>
      tpu.enqueue_dma source(%arg6 : memref<32x128xf32, #tpu.memory_space<vmem>>) target(%dma_start3A_102 : memref<32x128xf32, #tpu.memory_space<vmem_shared>>) target_semaphore(%run_scoped3A : memref<!tpu.dma_semaphore, #tpu.memory_space<semaphore_mem>>)
      %dma_wait3A = arith.constant 0 : i32
      %dma_wait3A_103 = tpu.memref_slice %arg7[%add3A_36, %dma_wait3A] : memref<10240x128xf32, #tpu.memory_space<vmem_shared>> -> memref<32x128xf32, #tpu.memory_space<vmem_shared>>
      %dma_wait3A_104 = arith.constant 0 : i32
      %dma_wait3A_105 = tpu.memref_slice %arg7[%add3A_36, %dma_wait3A_104] : memref<10240x128xf32, #tpu.memory_space<vmem_shared>> -> memref<32x128xf32, #tpu.memory_space<vmem_shared>>
      tpu.wait_dma2 semaphore(%run_scoped3A : memref<!tpu.dma_semaphore, #tpu.memory_space<semaphore_mem>>) src(%arg6 : memref<32x128xf32, #tpu.memory_space<vmem>>) dst(%dma_wait3A_105 : memref<32x128xf32, #tpu.memory_space<vmem_shared>>)
      tpu.yield
    }) : () -> ()
    %mul3A_37 = arith.constant 640 : i32
    %mul3A_38 = arith.muli %arg1, %mul3A_37 : i32
    %add3A_39 = arith.constant 224 : i32
    %add3A_40 = arith.addi %mul3A_38, %add3A_39 : i32
    "tpu.region"() ({
      %run_scoped3A = tpu.sem_alloc : memref<!tpu.dma_semaphore, #tpu.memory_space<semaphore_mem>>
      %dma_start3A = arith.constant 0 : i32
      %dma_start3A_100 = tpu.memref_slice %arg7[%add3A_40, %dma_start3A] : memref<10240x128xf32, #tpu.memory_space<vmem_shared>> -> memref<32x128xf32, #tpu.memory_space<vmem_shared>>
      %dma_start3A_101 = arith.constant 0 : i32
      %dma_start3A_102 = tpu.memref_slice %arg7[%add3A_40, %dma_start3A_101] : memref<10240x128xf32, #tpu.memory_space<vmem_shared>> -> memref<32x128xf32, #tpu.memory_space<vmem_shared>>
      tpu.enqueue_dma source(%arg6 : memref<32x128xf32, #tpu.memory_space<vmem>>) target(%dma_start3A_102 : memref<32x128xf32, #tpu.memory_space<vmem_shared>>) target_semaphore(%run_scoped3A : memref<!tpu.dma_semaphore, #tpu.memory_space<semaphore_mem>>)
      %dma_wait3A = arith.constant 0 : i32
      %dma_wait3A_103 = tpu.memref_slice %arg7[%add3A_40, %dma_wait3A] : memref<10240x128xf32, #tpu.memory_space<vmem_shared>> -> memref<32x128xf32, #tpu.memory_space<vmem_shared>>
      %dma_wait3A_104 = arith.constant 0 : i32
      %dma_wait3A_105 = tpu.memref_slice %arg7[%add3A_40, %dma_wait3A_104] : memref<10240x128xf32, #tpu.memory_space<vmem_shared>> -> memref<32x128xf32, #tpu.memory_space<vmem_shared>>
      tpu.wait_dma2 semaphore(%run_scoped3A : memref<!tpu.dma_semaphore, #tpu.memory_space<semaphore_mem>>) src(%arg6 : memref<32x128xf32, #tpu.memory_space<vmem>>) dst(%dma_wait3A_105 : memref<32x128xf32, #tpu.memory_space<vmem_shared>>)
      tpu.yield
    }) : () -> ()
    %mul3A_41 = arith.constant 640 : i32
    %mul3A_42 = arith.muli %arg1, %mul3A_41 : i32
    %add3A_43 = arith.constant 256 : i32
    %add3A_44 = arith.addi %mul3A_42, %add3A_43 : i32
    "tpu.region"() ({
      %run_scoped3A = tpu.sem_alloc : memref<!tpu.dma_semaphore, #tpu.memory_space<semaphore_mem>>
      %dma_start3A = arith.constant 0 : i32
      %dma_start3A_100 = tpu.memref_slice %arg7[%add3A_44, %dma_start3A] : memref<10240x128xf32, #tpu.memory_space<vmem_shared>> -> memref<32x128xf32, #tpu.memory_space<vmem_shared>>
      %dma_start3A_101 = arith.constant 0 : i32
      %dma_start3A_102 = tpu.memref_slice %arg7[%add3A_44, %dma_start3A_101] : memref<10240x128xf32, #tpu.memory_space<vmem_shared>> -> memref<32x128xf32, #tpu.memory_space<vmem_shared>>
      tpu.enqueue_dma source(%arg6 : memref<32x128xf32, #tpu.memory_space<vmem>>) target(%dma_start3A_102 : memref<32x128xf32, #tpu.memory_space<vmem_shared>>) target_semaphore(%run_scoped3A : memref<!tpu.dma_semaphore, #tpu.memory_space<semaphore_mem>>)
      %dma_wait3A = arith.constant 0 : i32
      %dma_wait3A_103 = tpu.memref_slice %arg7[%add3A_44, %dma_wait3A] : memref<10240x128xf32, #tpu.memory_space<vmem_shared>> -> memref<32x128xf32, #tpu.memory_space<vmem_shared>>
      %dma_wait3A_104 = arith.constant 0 : i32
      %dma_wait3A_105 = tpu.memref_slice %arg7[%add3A_44, %dma_wait3A_104] : memref<10240x128xf32, #tpu.memory_space<vmem_shared>> -> memref<32x128xf32, #tpu.memory_space<vmem_shared>>
      tpu.wait_dma2 semaphore(%run_scoped3A : memref<!tpu.dma_semaphore, #tpu.memory_space<semaphore_mem>>) src(%arg6 : memref<32x128xf32, #tpu.memory_space<vmem>>) dst(%dma_wait3A_105 : memref<32x128xf32, #tpu.memory_space<vmem_shared>>)
      tpu.yield
    }) : () -> ()
    %mul3A_45 = arith.constant 640 : i32
    %mul3A_46 = arith.muli %arg1, %mul3A_45 : i32
    %add3A_47 = arith.constant 288 : i32
    %add3A_48 = arith.addi %mul3A_46, %add3A_47 : i32
    "tpu.region"() ({
      %run_scoped3A = tpu.sem_alloc : memref<!tpu.dma_semaphore, #tpu.memory_space<semaphore_mem>>
      %dma_start3A = arith.constant 0 : i32
      %dma_start3A_100 = tpu.memref_slice %arg7[%add3A_48, %dma_start3A] : memref<10240x128xf32, #tpu.memory_space<vmem_shared>> -> memref<32x128xf32, #tpu.memory_space<vmem_shared>>
      %dma_start3A_101 = arith.constant 0 : i32
      %dma_start3A_102 = tpu.memref_slice %arg7[%add3A_48, %dma_start3A_101] : memref<10240x128xf32, #tpu.memory_space<vmem_shared>> -> memref<32x128xf32, #tpu.memory_space<vmem_shared>>
      tpu.enqueue_dma source(%arg6 : memref<32x128xf32, #tpu.memory_space<vmem>>) target(%dma_start3A_102 : memref<32x128xf32, #tpu.memory_space<vmem_shared>>) target_semaphore(%run_scoped3A : memref<!tpu.dma_semaphore, #tpu.memory_space<semaphore_mem>>)
      %dma_wait3A = arith.constant 0 : i32
      %dma_wait3A_103 = tpu.memref_slice %arg7[%add3A_48, %dma_wait3A] : memref<10240x128xf32, #tpu.memory_space<vmem_shared>> -> memref<32x128xf32, #tpu.memory_space<vmem_shared>>
      %dma_wait3A_104 = arith.constant 0 : i32
      %dma_wait3A_105 = tpu.memref_slice %arg7[%add3A_48, %dma_wait3A_104] : memref<10240x128xf32, #tpu.memory_space<vmem_shared>> -> memref<32x128xf32, #tpu.memory_space<vmem_shared>>
      tpu.wait_dma2 semaphore(%run_scoped3A : memref<!tpu.dma_semaphore, #tpu.memory_space<semaphore_mem>>) src(%arg6 : memref<32x128xf32, #tpu.memory_space<vmem>>) dst(%dma_wait3A_105 : memref<32x128xf32, #tpu.memory_space<vmem_shared>>)
      tpu.yield
    }) : () -> ()
    %mul3A_49 = arith.constant 640 : i32
    %mul3A_50 = arith.muli %arg1, %mul3A_49 : i32
    %add3A_51 = arith.constant 320 : i32
    %add3A_52 = arith.addi %mul3A_50, %add3A_51 : i32
    "tpu.region"() ({
      %run_scoped3A = tpu.sem_alloc : memref<!tpu.dma_semaphore, #tpu.memory_space<semaphore_mem>>
      %dma_start3A = arith.constant 0 : i32
      %dma_start3A_100 = tpu.memref_slice %arg7[%add3A_52, %dma_start3A] : memref<10240x128xf32, #tpu.memory_space<vmem_shared>> -> memref<32x128xf32, #tpu.memory_space<vmem_shared>>
      %dma_start3A_101 = arith.constant 0 : i32
      %dma_start3A_102 = tpu.memref_slice %arg7[%add3A_52, %dma_start3A_101] : memref<10240x128xf32, #tpu.memory_space<vmem_shared>> -> memref<32x128xf32, #tpu.memory_space<vmem_shared>>
      tpu.enqueue_dma source(%arg6 : memref<32x128xf32, #tpu.memory_space<vmem>>) target(%dma_start3A_102 : memref<32x128xf32, #tpu.memory_space<vmem_shared>>) target_semaphore(%run_scoped3A : memref<!tpu.dma_semaphore, #tpu.memory_space<semaphore_mem>>)
      %dma_wait3A = arith.constant 0 : i32
      %dma_wait3A_103 = tpu.memref_slice %arg7[%add3A_52, %dma_wait3A] : memref<10240x128xf32, #tpu.memory_space<vmem_shared>> -> memref<32x128xf32, #tpu.memory_space<vmem_shared>>
      %dma_wait3A_104 = arith.constant 0 : i32
      %dma_wait3A_105 = tpu.memref_slice %arg7[%add3A_52, %dma_wait3A_104] : memref<10240x128xf32, #tpu.memory_space<vmem_shared>> -> memref<32x128xf32, #tpu.memory_space<vmem_shared>>
      tpu.wait_dma2 semaphore(%run_scoped3A : memref<!tpu.dma_semaphore, #tpu.memory_space<semaphore_mem>>) src(%arg6 : memref<32x128xf32, #tpu.memory_space<vmem>>) dst(%dma_wait3A_105 : memref<32x128xf32, #tpu.memory_space<vmem_shared>>)
      tpu.yield
    }) : () -> ()
    %mul3A_53 = arith.constant 640 : i32
    %mul3A_54 = arith.muli %arg1, %mul3A_53 : i32
    %add3A_55 = arith.constant 352 : i32
    %add3A_56 = arith.addi %mul3A_54, %add3A_55 : i32
    "tpu.region"() ({
      %run_scoped3A = tpu.sem_alloc : memref<!tpu.dma_semaphore, #tpu.memory_space<semaphore_mem>>
      %dma_start3A = arith.constant 0 : i32
      %dma_start3A_100 = tpu.memref_slice %arg7[%add3A_56, %dma_start3A] : memref<10240x128xf32, #tpu.memory_space<vmem_shared>> -> memref<32x128xf32, #tpu.memory_space<vmem_shared>>
      %dma_start3A_101 = arith.constant 0 : i32
      %dma_start3A_102 = tpu.memref_slice %arg7[%add3A_56, %dma_start3A_101] : memref<10240x128xf32, #tpu.memory_space<vmem_shared>> -> memref<32x128xf32, #tpu.memory_space<vmem_shared>>
      tpu.enqueue_dma source(%arg6 : memref<32x128xf32, #tpu.memory_space<vmem>>) target(%dma_start3A_102 : memref<32x128xf32, #tpu.memory_space<vmem_shared>>) target_semaphore(%run_scoped3A : memref<!tpu.dma_semaphore, #tpu.memory_space<semaphore_mem>>)
      %dma_wait3A = arith.constant 0 : i32
      %dma_wait3A_103 = tpu.memref_slice %arg7[%add3A_56, %dma_wait3A] : memref<10240x128xf32, #tpu.memory_space<vmem_shared>> -> memref<32x128xf32, #tpu.memory_space<vmem_shared>>
      %dma_wait3A_104 = arith.constant 0 : i32
      %dma_wait3A_105 = tpu.memref_slice %arg7[%add3A_56, %dma_wait3A_104] : memref<10240x128xf32, #tpu.memory_space<vmem_shared>> -> memref<32x128xf32, #tpu.memory_space<vmem_shared>>
      tpu.wait_dma2 semaphore(%run_scoped3A : memref<!tpu.dma_semaphore, #tpu.memory_space<semaphore_mem>>) src(%arg6 : memref<32x128xf32, #tpu.memory_space<vmem>>) dst(%dma_wait3A_105 : memref<32x128xf32, #tpu.memory_space<vmem_shared>>)
      tpu.yield
    }) : () -> ()
    %mul3A_57 = arith.constant 640 : i32
    %mul3A_58 = arith.muli %arg1, %mul3A_57 : i32
    %add3A_59 = arith.constant 384 : i32
    %add3A_60 = arith.addi %mul3A_58, %add3A_59 : i32
    "tpu.region"() ({
      %run_scoped3A = tpu.sem_alloc : memref<!tpu.dma_semaphore, #tpu.memory_space<semaphore_mem>>
      %dma_start3A = arith.constant 0 : i32
      %dma_start3A_100 = tpu.memref_slice %arg7[%add3A_60, %dma_start3A] : memref<10240x128xf32, #tpu.memory_space<vmem_shared>> -> memref<32x128xf32, #tpu.memory_space<vmem_shared>>
      %dma_start3A_101 = arith.constant 0 : i32
      %dma_start3A_102 = tpu.memref_slice %arg7[%add3A_60, %dma_start3A_101] : memref<10240x128xf32, #tpu.memory_space<vmem_shared>> -> memref<32x128xf32, #tpu.memory_space<vmem_shared>>
      tpu.enqueue_dma source(%arg6 : memref<32x128xf32, #tpu.memory_space<vmem>>) target(%dma_start3A_102 : memref<32x128xf32, #tpu.memory_space<vmem_shared>>) target_semaphore(%run_scoped3A : memref<!tpu.dma_semaphore, #tpu.memory_space<semaphore_mem>>)
      %dma_wait3A = arith.constant 0 : i32
      %dma_wait3A_103 = tpu.memref_slice %arg7[%add3A_60, %dma_wait3A] : memref<10240x128xf32, #tpu.memory_space<vmem_shared>> -> memref<32x128xf32, #tpu.memory_space<vmem_shared>>
      %dma_wait3A_104 = arith.constant 0 : i32
      %dma_wait3A_105 = tpu.memref_slice %arg7[%add3A_60, %dma_wait3A_104] : memref<10240x128xf32, #tpu.memory_space<vmem_shared>> -> memref<32x128xf32, #tpu.memory_space<vmem_shared>>
      tpu.wait_dma2 semaphore(%run_scoped3A : memref<!tpu.dma_semaphore, #tpu.memory_space<semaphore_mem>>) src(%arg6 : memref<32x128xf32, #tpu.memory_space<vmem>>) dst(%dma_wait3A_105 : memref<32x128xf32, #tpu.memory_space<vmem_shared>>)
      tpu.yield
    }) : () -> ()
    %mul3A_61 = arith.constant 640 : i32
    %mul3A_62 = arith.muli %arg1, %mul3A_61 : i32
    %add3A_63 = arith.constant 416 : i32
    %add3A_64 = arith.addi %mul3A_62, %add3A_63 : i32
    "tpu.region"() ({
      %run_scoped3A = tpu.sem_alloc : memref<!tpu.dma_semaphore, #tpu.memory_space<semaphore_mem>>
      %dma_start3A = arith.constant 0 : i32
      %dma_start3A_100 = tpu.memref_slice %arg7[%add3A_64, %dma_start3A] : memref<10240x128xf32, #tpu.memory_space<vmem_shared>> -> memref<32x128xf32, #tpu.memory_space<vmem_shared>>
      %dma_start3A_101 = arith.constant 0 : i32
      %dma_start3A_102 = tpu.memref_slice %arg7[%add3A_64, %dma_start3A_101] : memref<10240x128xf32, #tpu.memory_space<vmem_shared>> -> memref<32x128xf32, #tpu.memory_space<vmem_shared>>
      tpu.enqueue_dma source(%arg6 : memref<32x128xf32, #tpu.memory_space<vmem>>) target(%dma_start3A_102 : memref<32x128xf32, #tpu.memory_space<vmem_shared>>) target_semaphore(%run_scoped3A : memref<!tpu.dma_semaphore, #tpu.memory_space<semaphore_mem>>)
      %dma_wait3A = arith.constant 0 : i32
      %dma_wait3A_103 = tpu.memref_slice %arg7[%add3A_64, %dma_wait3A] : memref<10240x128xf32, #tpu.memory_space<vmem_shared>> -> memref<32x128xf32, #tpu.memory_space<vmem_shared>>
      %dma_wait3A_104 = arith.constant 0 : i32
      %dma_wait3A_105 = tpu.memref_slice %arg7[%add3A_64, %dma_wait3A_104] : memref<10240x128xf32, #tpu.memory_space<vmem_shared>> -> memref<32x128xf32, #tpu.memory_space<vmem_shared>>
      tpu.wait_dma2 semaphore(%run_scoped3A : memref<!tpu.dma_semaphore, #tpu.memory_space<semaphore_mem>>) src(%arg6 : memref<32x128xf32, #tpu.memory_space<vmem>>) dst(%dma_wait3A_105 : memref<32x128xf32, #tpu.memory_space<vmem_shared>>)
      tpu.yield
    }) : () -> ()
    %mul3A_65 = arith.constant 640 : i32
    %mul3A_66 = arith.muli %arg1, %mul3A_65 : i32
    %add3A_67 = arith.constant 448 : i32
    %add3A_68 = arith.addi %mul3A_66, %add3A_67 : i32
    "tpu.region"() ({
      %run_scoped3A = tpu.sem_alloc : memref<!tpu.dma_semaphore, #tpu.memory_space<semaphore_mem>>
      %dma_start3A = arith.constant 0 : i32
      %dma_start3A_100 = tpu.memref_slice %arg7[%add3A_68, %dma_start3A] : memref<10240x128xf32, #tpu.memory_space<vmem_shared>> -> memref<32x128xf32, #tpu.memory_space<vmem_shared>>
      %dma_start3A_101 = arith.constant 0 : i32
      %dma_start3A_102 = tpu.memref_slice %arg7[%add3A_68, %dma_start3A_101] : memref<10240x128xf32, #tpu.memory_space<vmem_shared>> -> memref<32x128xf32, #tpu.memory_space<vmem_shared>>
      tpu.enqueue_dma source(%arg6 : memref<32x128xf32, #tpu.memory_space<vmem>>) target(%dma_start3A_102 : memref<32x128xf32, #tpu.memory_space<vmem_shared>>) target_semaphore(%run_scoped3A : memref<!tpu.dma_semaphore, #tpu.memory_space<semaphore_mem>>)
      %dma_wait3A = arith.constant 0 : i32
      %dma_wait3A_103 = tpu.memref_slice %arg7[%add3A_68, %dma_wait3A] : memref<10240x128xf32, #tpu.memory_space<vmem_shared>> -> memref<32x128xf32, #tpu.memory_space<vmem_shared>>
      %dma_wait3A_104 = arith.constant 0 : i32
      %dma_wait3A_105 = tpu.memref_slice %arg7[%add3A_68, %dma_wait3A_104] : memref<10240x128xf32, #tpu.memory_space<vmem_shared>> -> memref<32x128xf32, #tpu.memory_space<vmem_shared>>
      tpu.wait_dma2 semaphore(%run_scoped3A : memref<!tpu.dma_semaphore, #tpu.memory_space<semaphore_mem>>) src(%arg6 : memref<32x128xf32, #tpu.memory_space<vmem>>) dst(%dma_wait3A_105 : memref<32x128xf32, #tpu.memory_space<vmem_shared>>)
      tpu.yield
    }) : () -> ()
    %mul3A_69 = arith.constant 640 : i32
    %mul3A_70 = arith.muli %arg1, %mul3A_69 : i32
    %add3A_71 = arith.constant 480 : i32
    %add3A_72 = arith.addi %mul3A_70, %add3A_71 : i32
    "tpu.region"() ({
      %run_scoped3A = tpu.sem_alloc : memref<!tpu.dma_semaphore, #tpu.memory_space<semaphore_mem>>
      %dma_start3A = arith.constant 0 : i32
      %dma_start3A_100 = tpu.memref_slice %arg7[%add3A_72, %dma_start3A] : memref<10240x128xf32, #tpu.memory_space<vmem_shared>> -> memref<32x128xf32, #tpu.memory_space<vmem_shared>>
      %dma_start3A_101 = arith.constant 0 : i32
      %dma_start3A_102 = tpu.memref_slice %arg7[%add3A_72, %dma_start3A_101] : memref<10240x128xf32, #tpu.memory_space<vmem_shared>> -> memref<32x128xf32, #tpu.memory_space<vmem_shared>>
      tpu.enqueue_dma source(%arg6 : memref<32x128xf32, #tpu.memory_space<vmem>>) target(%dma_start3A_102 : memref<32x128xf32, #tpu.memory_space<vmem_shared>>) target_semaphore(%run_scoped3A : memref<!tpu.dma_semaphore, #tpu.memory_space<semaphore_mem>>)
      %dma_wait3A = arith.constant 0 : i32
      %dma_wait3A_103 = tpu.memref_slice %arg7[%add3A_72, %dma_wait3A] : memref<10240x128xf32, #tpu.memory_space<vmem_shared>> -> memref<32x128xf32, #tpu.memory_space<vmem_shared>>
      %dma_wait3A_104 = arith.constant 0 : i32
      %dma_wait3A_105 = tpu.memref_slice %arg7[%add3A_72, %dma_wait3A_104] : memref<10240x128xf32, #tpu.memory_space<vmem_shared>> -> memref<32x128xf32, #tpu.memory_space<vmem_shared>>
      tpu.wait_dma2 semaphore(%run_scoped3A : memref<!tpu.dma_semaphore, #tpu.memory_space<semaphore_mem>>) src(%arg6 : memref<32x128xf32, #tpu.memory_space<vmem>>) dst(%dma_wait3A_105 : memref<32x128xf32, #tpu.memory_space<vmem_shared>>)
      tpu.yield
    }) : () -> ()
    %mul3A_73 = arith.constant 640 : i32
    %mul3A_74 = arith.muli %arg1, %mul3A_73 : i32
    %add3A_75 = arith.constant 512 : i32
    %add3A_76 = arith.addi %mul3A_74, %add3A_75 : i32
    "tpu.region"() ({
      %run_scoped3A = tpu.sem_alloc : memref<!tpu.dma_semaphore, #tpu.memory_space<semaphore_mem>>
      %dma_start3A = arith.constant 0 : i32
      %dma_start3A_100 = tpu.memref_slice %arg7[%add3A_76, %dma_start3A] : memref<10240x128xf32, #tpu.memory_space<vmem_shared>> -> memref<32x128xf32, #tpu.memory_space<vmem_shared>>
      %dma_start3A_101 = arith.constant 0 : i32
      %dma_start3A_102 = tpu.memref_slice %arg7[%add3A_76, %dma_start3A_101] : memref<10240x128xf32, #tpu.memory_space<vmem_shared>> -> memref<32x128xf32, #tpu.memory_space<vmem_shared>>
      tpu.enqueue_dma source(%arg6 : memref<32x128xf32, #tpu.memory_space<vmem>>) target(%dma_start3A_102 : memref<32x128xf32, #tpu.memory_space<vmem_shared>>) target_semaphore(%run_scoped3A : memref<!tpu.dma_semaphore, #tpu.memory_space<semaphore_mem>>)
      %dma_wait3A = arith.constant 0 : i32
      %dma_wait3A_103 = tpu.memref_slice %arg7[%add3A_76, %dma_wait3A] : memref<10240x128xf32, #tpu.memory_space<vmem_shared>> -> memref<32x128xf32, #tpu.memory_space<vmem_shared>>
      %dma_wait3A_104 = arith.constant 0 : i32
      %dma_wait3A_105 = tpu.memref_slice %arg7[%add3A_76, %dma_wait3A_104] : memref<10240x128xf32, #tpu.memory_space<vmem_shared>> -> memref<32x128xf32, #tpu.memory_space<vmem_shared>>
      tpu.wait_dma2 semaphore(%run_scoped3A : memref<!tpu.dma_semaphore, #tpu.memory_space<semaphore_mem>>) src(%arg6 : memref<32x128xf32, #tpu.memory_space<vmem>>) dst(%dma_wait3A_105 : memref<32x128xf32, #tpu.memory_space<vmem_shared>>)
      tpu.yield
    }) : () -> ()
    %mul3A_77 = arith.constant 640 : i32
    %mul3A_78 = arith.muli %arg1, %mul3A_77 : i32
    %add3A_79 = arith.constant 544 : i32
    %add3A_80 = arith.addi %mul3A_78, %add3A_79 : i32
    "tpu.region"() ({
      %run_scoped3A = tpu.sem_alloc : memref<!tpu.dma_semaphore, #tpu.memory_space<semaphore_mem>>
      %dma_start3A = arith.constant 0 : i32
      %dma_start3A_100 = tpu.memref_slice %arg7[%add3A_80, %dma_start3A] : memref<10240x128xf32, #tpu.memory_space<vmem_shared>> -> memref<32x128xf32, #tpu.memory_space<vmem_shared>>
      %dma_start3A_101 = arith.constant 0 : i32
      %dma_start3A_102 = tpu.memref_slice %arg7[%add3A_80, %dma_start3A_101] : memref<10240x128xf32, #tpu.memory_space<vmem_shared>> -> memref<32x128xf32, #tpu.memory_space<vmem_shared>>
      tpu.enqueue_dma source(%arg6 : memref<32x128xf32, #tpu.memory_space<vmem>>) target(%dma_start3A_102 : memref<32x128xf32, #tpu.memory_space<vmem_shared>>) target_semaphore(%run_scoped3A : memref<!tpu.dma_semaphore, #tpu.memory_space<semaphore_mem>>)
      %dma_wait3A = arith.constant 0 : i32
      %dma_wait3A_103 = tpu.memref_slice %arg7[%add3A_80, %dma_wait3A] : memref<10240x128xf32, #tpu.memory_space<vmem_shared>> -> memref<32x128xf32, #tpu.memory_space<vmem_shared>>
      %dma_wait3A_104 = arith.constant 0 : i32
      %dma_wait3A_105 = tpu.memref_slice %arg7[%add3A_80, %dma_wait3A_104] : memref<10240x128xf32, #tpu.memory_space<vmem_shared>> -> memref<32x128xf32, #tpu.memory_space<vmem_shared>>
      tpu.wait_dma2 semaphore(%run_scoped3A : memref<!tpu.dma_semaphore, #tpu.memory_space<semaphore_mem>>) src(%arg6 : memref<32x128xf32, #tpu.memory_space<vmem>>) dst(%dma_wait3A_105 : memref<32x128xf32, #tpu.memory_space<vmem_shared>>)
      tpu.yield
    }) : () -> ()
    %mul3A_81 = arith.constant 640 : i32
    %mul3A_82 = arith.muli %arg1, %mul3A_81 : i32
    %add3A_83 = arith.constant 576 : i32
    %add3A_84 = arith.addi %mul3A_82, %add3A_83 : i32
    "tpu.region"() ({
      %run_scoped3A = tpu.sem_alloc : memref<!tpu.dma_semaphore, #tpu.memory_space<semaphore_mem>>
      %dma_start3A = arith.constant 0 : i32
      %dma_start3A_100 = tpu.memref_slice %arg7[%add3A_84, %dma_start3A] : memref<10240x128xf32, #tpu.memory_space<vmem_shared>> -> memref<32x128xf32, #tpu.memory_space<vmem_shared>>
      %dma_start3A_101 = arith.constant 0 : i32
      %dma_start3A_102 = tpu.memref_slice %arg7[%add3A_84, %dma_start3A_101] : memref<10240x128xf32, #tpu.memory_space<vmem_shared>> -> memref<32x128xf32, #tpu.memory_space<vmem_shared>>
      tpu.enqueue_dma source(%arg6 : memref<32x128xf32, #tpu.memory_space<vmem>>) target(%dma_start3A_102 : memref<32x128xf32, #tpu.memory_space<vmem_shared>>) target_semaphore(%run_scoped3A : memref<!tpu.dma_semaphore, #tpu.memory_space<semaphore_mem>>)
      %dma_wait3A = arith.constant 0 : i32
      %dma_wait3A_103 = tpu.memref_slice %arg7[%add3A_84, %dma_wait3A] : memref<10240x128xf32, #tpu.memory_space<vmem_shared>> -> memref<32x128xf32, #tpu.memory_space<vmem_shared>>
      %dma_wait3A_104 = arith.constant 0 : i32
      %dma_wait3A_105 = tpu.memref_slice %arg7[%add3A_84, %dma_wait3A_104] : memref<10240x128xf32, #tpu.memory_space<vmem_shared>> -> memref<32x128xf32, #tpu.memory_space<vmem_shared>>
      tpu.wait_dma2 semaphore(%run_scoped3A : memref<!tpu.dma_semaphore, #tpu.memory_space<semaphore_mem>>) src(%arg6 : memref<32x128xf32, #tpu.memory_space<vmem>>) dst(%dma_wait3A_105 : memref<32x128xf32, #tpu.memory_space<vmem_shared>>)
      tpu.yield
    }) : () -> ()
    %mul3A_85 = arith.constant 640 : i32
    %mul3A_86 = arith.muli %arg1, %mul3A_85 : i32
    %add3A_87 = arith.constant 608 : i32
    %add3A_88 = arith.addi %mul3A_86, %add3A_87 : i32
    "tpu.region"() ({
      %run_scoped3A = tpu.sem_alloc : memref<!tpu.dma_semaphore, #tpu.memory_space<semaphore_mem>>
      %dma_start3A = arith.constant 0 : i32
      %dma_start3A_100 = tpu.memref_slice %arg7[%add3A_88, %dma_start3A] : memref<10240x128xf32, #tpu.memory_space<vmem_shared>> -> memref<32x128xf32, #tpu.memory_space<vmem_shared>>
      %dma_start3A_101 = arith.constant 0 : i32
      %dma_start3A_102 = tpu.memref_slice %arg7[%add3A_88, %dma_start3A_101] : memref<10240x128xf32, #tpu.memory_space<vmem_shared>> -> memref<32x128xf32, #tpu.memory_space<vmem_shared>>
      tpu.enqueue_dma source(%arg6 : memref<32x128xf32, #tpu.memory_space<vmem>>) target(%dma_start3A_102 : memref<32x128xf32, #tpu.memory_space<vmem_shared>>) target_semaphore(%run_scoped3A : memref<!tpu.dma_semaphore, #tpu.memory_space<semaphore_mem>>)
      %dma_wait3A = arith.constant 0 : i32
      %dma_wait3A_103 = tpu.memref_slice %arg7[%add3A_88, %dma_wait3A] : memref<10240x128xf32, #tpu.memory_space<vmem_shared>> -> memref<32x128xf32, #tpu.memory_space<vmem_shared>>
      %dma_wait3A_104 = arith.constant 0 : i32
      %dma_wait3A_105 = tpu.memref_slice %arg7[%add3A_88, %dma_wait3A_104] : memref<10240x128xf32, #tpu.memory_space<vmem_shared>> -> memref<32x128xf32, #tpu.memory_space<vmem_shared>>
      tpu.wait_dma2 semaphore(%run_scoped3A : memref<!tpu.dma_semaphore, #tpu.memory_space<semaphore_mem>>) src(%arg6 : memref<32x128xf32, #tpu.memory_space<vmem>>) dst(%dma_wait3A_105 : memref<32x128xf32, #tpu.memory_space<vmem_shared>>)
      tpu.yield
    }) : () -> ()
    %barrier3A = arith.constant 0 : index
    tpu.barrier barrier_id(%barrier3A)
    "tpu.region"() ({
      %run_scoped3A = tpu.sem_alloc : memref<!tpu.dma_semaphore, #tpu.memory_space<semaphore_mem>>
      %dma_start3A = arith.constant 0 : i32
      %dma_start3A_100 = arith.constant 0 : i32
      %dma_start3A_101 = tpu.memref_slice %arg2[%arg0, %arg1, %dma_start3A, %dma_start3A_100] : memref<2x16x79x128xi32, #tpu.memory_space<hbm>> -> memref<1x1x79x128xi32, #tpu.memory_space<hbm>>
      %dma_start3A_102 = tpu.memref_squeeze %dma_start3A_101 : memref<1x1x79x128xi32, #tpu.memory_space<hbm>> -> memref<79x128xi32, #tpu.memory_space<hbm>>
      %dma_start3A_103 = arith.constant 0 : i32
      %dma_start3A_104 = arith.constant 0 : i32
      %dma_start3A_105 = tpu.memref_slice %arg2[%arg0, %arg1, %dma_start3A_103, %dma_start3A_104] : memref<2x16x79x128xi32, #tpu.memory_space<hbm>> -> memref<1x1x79x128xi32, #tpu.memory_space<hbm>>
      %dma_start3A_106 = tpu.memref_squeeze %dma_start3A_105 : memref<1x1x79x128xi32, #tpu.memory_space<hbm>> -> memref<79x128xi32, #tpu.memory_space<hbm>>
      tpu.enqueue_dma source(%dma_start3A_106 : memref<79x128xi32, #tpu.memory_space<hbm>>) target(%arg4 : memref<79x128xi32, #tpu.memory_space<vmem>>) target_semaphore(%run_scoped3A : memref<!tpu.dma_semaphore, #tpu.memory_space<semaphore_mem>>)
      %dma_wait3A = arith.constant 0 : i32
      %dma_wait3A_107 = arith.constant 0 : i32
      %dma_wait3A_108 = tpu.memref_slice %arg2[%arg0, %arg1, %dma_wait3A, %dma_wait3A_107] : memref<2x16x79x128xi32, #tpu.memory_space<hbm>> -> memref<1x1x79x128xi32, #tpu.memory_space<hbm>>
      %dma_wait3A_109 = tpu.memref_squeeze %dma_wait3A_108 : memref<1x1x79x128xi32, #tpu.memory_space<hbm>> -> memref<79x128xi32, #tpu.memory_space<hbm>>
      %dma_wait3A_110 = arith.constant 0 : i32
      %dma_wait3A_111 = arith.constant 0 : i32
      %dma_wait3A_112 = tpu.memref_slice %arg2[%arg0, %arg1, %dma_wait3A_110, %dma_wait3A_111] : memref<2x16x79x128xi32, #tpu.memory_space<hbm>> -> memref<1x1x79x128xi32, #tpu.memory_space<hbm>>
      %dma_wait3A_113 = tpu.memref_squeeze %dma_wait3A_112 : memref<1x1x79x128xi32, #tpu.memory_space<hbm>> -> memref<79x128xi32, #tpu.memory_space<hbm>>
      tpu.wait_dma2 semaphore(%run_scoped3A : memref<!tpu.dma_semaphore, #tpu.memory_space<semaphore_mem>>) src(%dma_wait3A_113 : memref<79x128xi32, #tpu.memory_space<hbm>>) dst(%arg4 : memref<79x128xi32, #tpu.memory_space<vmem>>)
      tpu.yield
    }) : () -> ()
    %scan3A_89 = arith.constant 0 : i32
    %scan3A_90 = arith.constant 0 : i32
    %scan3A_91 = arith.constant 79 : i32
    %scan3A_92 = arith.addi %scan3A_90, %scan3A_91 : i32
    %scan3A_93 = arith.constant 1 : i32
    scf.for %scan3A_100 = %scan3A_90 to %scan3A_92 step %scan3A_93  : i32 {
      "tpu.region"() ({
        %run_scoped3A = tpu.sem_alloc : memref<!tpu.dma_semaphore, #tpu.memory_space<semaphore_mem>>
        %dma_start3A = arith.constant 0 : i32
        %dma_start3A_101 = tpu.memref_slice %arg4[%scan3A_100, %dma_start3A] : memref<79x128xi32, #tpu.memory_space<vmem>> -> memref<1x128xi32, #tpu.memory_space<vmem>>
        %dma_start3A_102 = tpu.memref_squeeze %dma_start3A_101 : memref<1x128xi32, #tpu.memory_space<vmem>> -> memref<128xi32, #tpu.memory_space<vmem>>
        %dma_start3A_103 = arith.constant 0 : i32
        %dma_start3A_104 = arith.constant 0 : i32
        %dma_start3A_105 = tpu.memref_slice %arg7[%dma_start3A_103, %dma_start3A_104] : memref<10240x128xf32, #tpu.memory_space<vmem_shared>> -> memref<10240x128xf32, #tpu.memory_space<vmem_shared>>
        tpu.enqueue_indirect_dma source(%arg5 : memref<128x128xf32, #tpu.memory_space<vmem>>) target(%dma_start3A_105 : memref<10240x128xf32, #tpu.memory_space<vmem_shared>>) offsets(%dma_start3A_102 : memref<128xi32, #tpu.memory_space<vmem>>) semaphore(%run_scoped3A : memref<!tpu.dma_semaphore, #tpu.memory_space<semaphore_mem>>) {add = true}
        %dma_wait3A = arith.constant 0 : i32
        %dma_wait3A_106 = tpu.memref_slice %arg4[%scan3A_100, %dma_wait3A] : memref<79x128xi32, #tpu.memory_space<vmem>> -> memref<1x128xi32, #tpu.memory_space<vmem>>
        %dma_wait3A_107 = tpu.memref_squeeze %dma_wait3A_106 : memref<1x128xi32, #tpu.memory_space<vmem>> -> memref<128xi32, #tpu.memory_space<vmem>>
        %dma_wait3A_108 = arith.constant 0 : i32
        %dma_wait3A_109 = arith.constant 0 : i32
        %dma_wait3A_110 = tpu.memref_slice %arg7[%dma_wait3A_108, %dma_wait3A_109] : memref<10240x128xf32, #tpu.memory_space<vmem_shared>> -> memref<10240x128xf32, #tpu.memory_space<vmem_shared>>
        tpu.wait_indirect_dma semaphore(%run_scoped3A : memref<!tpu.dma_semaphore, #tpu.memory_space<semaphore_mem>>) src(%arg5 : memref<128x128xf32, #tpu.memory_space<vmem>>) dst(%dma_wait3A_110 : memref<10240x128xf32, #tpu.memory_space<vmem_shared>>)
        tpu.yield
      }) : () -> ()
    }
    %scan3A_94 = arith.constant 79 : i32
    %barrier3A_95 = arith.constant 0 : index
    tpu.barrier barrier_id(%barrier3A_95)
    %mul3A_96 = arith.constant 640 : i32
    %mul3A_97 = arith.muli %arg1, %mul3A_96 : i32
    %mul3A_98 = arith.constant 640 : i32
    %mul3A_99 = arith.muli %arg1, %mul3A_98 : i32
    "tpu.region"() ({
      %run_scoped3A = tpu.sem_alloc : memref<!tpu.dma_semaphore, #tpu.memory_space<semaphore_mem>>
      %dma_start3A = arith.constant 0 : i32
      %dma_start3A_100 = tpu.memref_slice %arg3[%arg0, %mul3A_99, %dma_start3A] : memref<2x10240x128xf32, #tpu.memory_space<hbm>> -> memref<1x640x128xf32, #tpu.memory_space<hbm>>
      %dma_start3A_101 = tpu.memref_squeeze %dma_start3A_100 : memref<1x640x128xf32, #tpu.memory_space<hbm>> -> memref<640x128xf32, #tpu.memory_space<hbm>>
      %dma_start3A_102 = arith.constant 0 : i32
      %dma_start3A_103 = tpu.memref_slice %arg7[%mul3A_97, %dma_start3A_102] : memref<10240x128xf32, #tpu.memory_space<vmem_shared>> -> memref<640x128xf32, #tpu.memory_space<vmem_shared>>
      tpu.enqueue_dma source(%dma_start3A_103 : memref<640x128xf32, #tpu.memory_space<vmem_shared>>) target(%dma_start3A_101 : memref<640x128xf32, #tpu.memory_space<hbm>>) target_semaphore(%run_scoped3A : memref<!tpu.dma_semaphore, #tpu.memory_space<semaphore_mem>>)
      %dma_wait3A = arith.constant 0 : i32
      %dma_wait3A_104 = tpu.memref_slice %arg3[%arg0, %mul3A_99, %dma_wait3A] : memref<2x10240x128xf32, #tpu.memory_space<hbm>> -> memref<1x640x128xf32, #tpu.memory_space<hbm>>
      %dma_wait3A_105 = tpu.memref_squeeze %dma_wait3A_104 : memref<1x640x128xf32, #tpu.memory_space<hbm>> -> memref<640x128xf32, #tpu.memory_space<hbm>>
      %dma_wait3A_106 = arith.constant 0 : i32
      %dma_wait3A_107 = tpu.memref_slice %arg7[%mul3A_97, %dma_wait3A_106] : memref<10240x128xf32, #tpu.memory_space<vmem_shared>> -> memref<640x128xf32, #tpu.memory_space<vmem_shared>>
      tpu.wait_dma2 semaphore(%run_scoped3A : memref<!tpu.dma_semaphore, #tpu.memory_space<semaphore_mem>>) src(%dma_wait3A_107 : memref<640x128xf32, #tpu.memory_space<vmem_shared>>) dst(%dma_wait3A_105 : memref<640x128xf32, #tpu.memory_space<hbm>>)
      tpu.yield
    }) : () -> ()
    return
  }
}

module attributes {stable_mosaic.version = 14 : i64} {
  func.func @_scale_body(%arg0: i32, %arg1: memref<1000x128xf32, #tpu.memory_space<vmem>>, %arg2: memref<1000x128xf32, #tpu.memory_space<vmem>>, %arg3: memref<1000x1xf32, #tpu.memory_space<vmem>>, %arg4: memref<1000x128xf32, #tpu.memory_space<vmem>>, %arg5: memref<1000x128xf32, #tpu.memory_space<vmem>>) attributes {dimension_semantics = [#tpu.dimension_semantics<arbitrary>], iteration_bounds = array<i64: 10>, scalar_prefetch = 0 : i64, scratch_operands = 0 : i64, tpu.core_type = #tpu.core_type<tc>, window_params = [{transform_indices = @transform_0, window_bounds = array<i64: 1000, 128>}, {transform_indices = @transform_1, window_bounds = array<i64: 1000, 128>}, {transform_indices = @transform_2, window_bounds = array<i64: 1000, 1>}, {transform_indices = @transform_3, window_bounds = array<i64: 1000, 128>}, {transform_indices = @transform_4, window_bounds = array<i64: 1000, 128>}]} {
    %get3A = arith.constant 0 : index
    %get3A_0 = arith.constant 0 : index
    %get3A_1 = vector.load %arg3[%get3A, %get3A_0] : memref<1000x1xf32, #tpu.memory_space<vmem>>, vector<1000x1xf32>
    %max3A = arith.constant 1.000000e+00 : f32
    %max3A_2 = vector.broadcast %max3A : f32 to vector<1000x1xf32>
    %max3A_3 = arith.maximumf %get3A_1, %max3A_2 : vector<1000x1xf32>
    %rsqrt3A = math.rsqrt %max3A_3 : vector<1000x1xf32>
    %get3A_4 = arith.constant 0 : index
    %get3A_5 = arith.constant 0 : index
    %get3A_6 = vector.load %arg1[%get3A_4, %get3A_5] : memref<1000x128xf32, #tpu.memory_space<vmem>>, vector<1000x128xf32>
    %mul3A = vector.broadcast %rsqrt3A : vector<1000x1xf32> to vector<1000x128xf32>
    %mul3A_7 = arith.mulf %get3A_6, %mul3A : vector<1000x128xf32>
    %swap3A = arith.constant 0 : index
    %swap3A_8 = arith.constant 0 : index
    %swap3A_9 = vector.load %arg4[%swap3A, %swap3A_8] : memref<1000x128xf32, #tpu.memory_space<vmem>>, vector<1000x128xf32>
    tpu.vector_store %arg4[%swap3A, %swap3A_8], %mul3A_7 {strides = array<i32>} : memref<1000x128xf32, #tpu.memory_space<vmem>>, vector<1000x128xf32>,
    %get3A_10 = arith.constant 0 : index
    %get3A_11 = arith.constant 0 : index
    %get3A_12 = vector.load %arg2[%get3A_10, %get3A_11] : memref<1000x128xf32, #tpu.memory_space<vmem>>, vector<1000x128xf32>
    %mul3A_13 = vector.broadcast %rsqrt3A : vector<1000x1xf32> to vector<1000x128xf32>
    %mul3A_14 = arith.mulf %get3A_12, %mul3A_13 : vector<1000x128xf32>
    %swap3A_15 = arith.constant 0 : index
    %swap3A_16 = arith.constant 0 : index
    %swap3A_17 = vector.load %arg5[%swap3A_15, %swap3A_16] : memref<1000x128xf32, #tpu.memory_space<vmem>>, vector<1000x128xf32>
    tpu.vector_store %arg5[%swap3A_15, %swap3A_16], %mul3A_14 {strides = array<i32>} : memref<1000x128xf32, #tpu.memory_space<vmem>>, vector<1000x128xf32>,
    return
  }
  func.func @transform_0(%arg0: i32) -> (i32, i32) {
    %c0_i32 = arith.constant 0 : i32
    %c0_i32_0 = arith.constant 0 : i32
    return %arg0, %c0_i32 : i32, i32
  }
  func.func @transform_1(%arg0: i32) -> (i32, i32) {
    %c1_i32 = arith.constant 1 : i32
    %c0_i32 = arith.constant 0 : i32
    return %arg0, %c1_i32 : i32, i32
  }
  func.func @transform_2(%arg0: i32) -> (i32, i32) {
    %c0_i32 = arith.constant 0 : i32
    %c0_i32_0 = arith.constant 0 : i32
    return %arg0, %c0_i32 : i32, i32
  }
  func.func @transform_3(%arg0: i32) -> (i32, i32) {
    %c0_i32 = arith.constant 0 : i32
    %c0_i32_0 = arith.constant 0 : i32
    return %arg0, %c0_i32 : i32, i32
  }
  func.func @transform_4(%arg0: i32) -> (i32, i32) {
    %c0_i32 = arith.constant 0 : i32
    %c0_i32_0 = arith.constant 0 : i32
    return %arg0, %c0_i32 : i32, i32
  }
}

module attributes {stable_mosaic.version = 14 : i64} {
  func.func @_dense_body(%arg0: i32, %arg1: memref<1000x256xf32, #tpu.memory_space<vmem>>, %arg2: memref<1x1000x128xf32, #tpu.memory_space<vmem>>, %arg3: memref<1x1000x128xf32, #tpu.memory_space<vmem>>, %arg4: memref<1000x1xf32, #tpu.memory_space<vmem>>, %arg5: memref<128x512xf32, #tpu.memory_space<vmem>>, %arg6: memref<128x512xf32, #tpu.memory_space<vmem>>, %arg7: memref<256x512xf32, #tpu.memory_space<vmem>>, %arg8: memref<1x512xf32, #tpu.memory_space<vmem>>, %arg9: memref<512x64xf32, #tpu.memory_space<vmem>>, %arg10: memref<1x64xf32, #tpu.memory_space<vmem>>, %arg11: memref<1000x64xf32, #tpu.memory_space<vmem>>) attributes {dimension_semantics = [#tpu.dimension_semantics<arbitrary>], iteration_bounds = array<i64: 10>, scalar_prefetch = 0 : i64, scratch_operands = 0 : i64, tpu.core_type = #tpu.core_type<tc>, window_params = [{transform_indices = @transform_0, window_bounds = array<i64: 1000, 256>}, {transform_indices = @transform_1, window_bounds = array<i64: 1, 1000, 128>}, {transform_indices = @transform_2, window_bounds = array<i64: 1, 1000, 128>}, {transform_indices = @transform_3, window_bounds = array<i64: 1000, 1>}, {transform_indices = @transform_4, window_bounds = array<i64: 128, 512>}, {transform_indices = @transform_5, window_bounds = array<i64: 128, 512>}, {pipeline_mode = #tpu.pipeline_mode<synchronous>, transform_indices = @transform_6, window_bounds = array<i64: 256, 512>}, {pipeline_mode = #tpu.pipeline_mode<synchronous>, transform_indices = @transform_7, window_bounds = array<i64: 1, 512>}, {pipeline_mode = #tpu.pipeline_mode<synchronous>, transform_indices = @transform_8, window_bounds = array<i64: 512, 64>}, {pipeline_mode = #tpu.pipeline_mode<synchronous>, transform_indices = @transform_9, window_bounds = array<i64: 1, 64>}, {transform_indices = @transform_10, window_bounds = array<i64: 1000, 64>}]} {
    %get3A = arith.constant 0 : index
    %get3A_0 = arith.constant 0 : index
    %get3A_1 = vector.load %arg4[%get3A, %get3A_0] : memref<1000x1xf32, #tpu.memory_space<vmem>>, vector<1000x1xf32>
    %max3A = arith.constant 1.000000e+00 : f32
    %max3A_2 = vector.broadcast %max3A : f32 to vector<1000x1xf32>
    %max3A_3 = arith.maximumf %get3A_1, %max3A_2 : vector<1000x1xf32>
    %rsqrt3A = math.rsqrt %max3A_3 : vector<1000x1xf32>
    %get3A_4 = arith.constant 0 : index
    %get3A_5 = arith.constant 0 : index
    %get3A_6 = arith.constant 0 : index
    %get3A_7 = vector.load %arg2[%get3A_4, %get3A_5, %get3A_6] : memref<1x1000x128xf32, #tpu.memory_space<vmem>>, vector<1x1000x128xf32>
    %get3A_8 = vector.shape_cast %get3A_7 : vector<1x1000x128xf32> to vector<1000x128xf32>
    %mul3A = vector.broadcast %rsqrt3A : vector<1000x1xf32> to vector<1000x128xf32>
    %mul3A_9 = arith.mulf %get3A_8, %mul3A : vector<1000x128xf32>
    %get3A_10 = arith.constant 0 : index
    %get3A_11 = arith.constant 0 : index
    %get3A_12 = vector.load %arg5[%get3A_10, %get3A_11] : memref<128x512xf32, #tpu.memory_space<vmem>>, vector<128x512xf32>
    %dot_general3A = arith.constant dense<0.000000e+00> : vector<1000x512xf32>
    %dot_general3A_13 = tpu.matmul %mul3A_9, %get3A_12, %dot_general3A {dimension_numbers = #tpu.dot_dimension_numbers<[1], [0], [0], [1], [0, 0, 1, 1], [], []>, transpose_lhs_hint = false} : vector<1000x128xf32>, vector<128x512xf32>, vector<1000x512xf32> -> vector<1000x512xf32>
    %get3A_14 = arith.constant 0 : index
    %get3A_15 = arith.constant 0 : index
    %get3A_16 = arith.constant 0 : index
    %get3A_17 = vector.load %arg3[%get3A_14, %get3A_15, %get3A_16] : memref<1x1000x128xf32, #tpu.memory_space<vmem>>, vector<1x1000x128xf32>
    %get3A_18 = vector.shape_cast %get3A_17 : vector<1x1000x128xf32> to vector<1000x128xf32>
    %mul3A_19 = vector.broadcast %rsqrt3A : vector<1000x1xf32> to vector<1000x128xf32>
    %mul3A_20 = arith.mulf %get3A_18, %mul3A_19 : vector<1000x128xf32>
    %get3A_21 = arith.constant 0 : index
    %get3A_22 = arith.constant 0 : index
    %get3A_23 = vector.load %arg6[%get3A_21, %get3A_22] : memref<128x512xf32, #tpu.memory_space<vmem>>, vector<128x512xf32>
    %dot_general3A_24 = arith.constant dense<0.000000e+00> : vector<1000x512xf32>
    %dot_general3A_25 = tpu.matmul %mul3A_20, %get3A_23, %dot_general3A_24 {dimension_numbers = #tpu.dot_dimension_numbers<[1], [0], [0], [1], [0, 0, 1, 1], [], []>, transpose_lhs_hint = false} : vector<1000x128xf32>, vector<128x512xf32>, vector<1000x512xf32> -> vector<1000x512xf32>
    %add3A = arith.addf %dot_general3A_13, %dot_general3A_25 : vector<1000x512xf32>
    %get3A_26 = arith.constant 0 : index
    %get3A_27 = arith.constant 0 : index
    %get3A_28 = vector.load %arg1[%get3A_26, %get3A_27] : memref<1000x256xf32, #tpu.memory_space<vmem>>, vector<1000x256xf32>
    %get3A_29 = arith.constant 0 : index
    %get3A_30 = arith.constant 0 : index
    %get3A_31 = vector.load %arg7[%get3A_29, %get3A_30] : memref<256x512xf32, #tpu.memory_space<vmem>>, vector<256x512xf32>
    %dot_general3A_32 = arith.constant dense<0.000000e+00> : vector<1000x512xf32>
    %dot_general3A_33 = tpu.matmul %get3A_28, %get3A_31, %dot_general3A_32 {dimension_numbers = #tpu.dot_dimension_numbers<[1], [0], [0], [1], [0, 0, 1, 1], [], []>, transpose_lhs_hint = false} : vector<1000x256xf32>, vector<256x512xf32>, vector<1000x512xf32> -> vector<1000x512xf32>
    %add3A_34 = arith.addf %add3A, %dot_general3A_33 : vector<1000x512xf32>
    %get3A_35 = arith.constant 0 : index
    %get3A_36 = arith.constant 0 : index
    %get3A_37 = vector.load %arg8[%get3A_35, %get3A_36] : memref<1x512xf32, #tpu.memory_space<vmem>>, vector<1x512xf32>
    %add3A_38 = vector.broadcast %get3A_37 : vector<1x512xf32> to vector<1000x512xf32>
    %add3A_39 = arith.addf %add3A_34, %add3A_38 : vector<1000x512xf32>
    %ge3A = arith.constant 0.000000e+00 : f32
    %ge3A_40 = vector.broadcast %ge3A : f32 to vector<1000x512xf32>
    %ge3A_41 = arith.cmpf oge, %add3A_39, %ge3A_40 : vector<1000x512xf32>
    %mul3A_42 = arith.constant 2.000000e-01 : f32
    %mul3A_43 = vector.broadcast %mul3A_42 : f32 to vector<1000x512xf32>
    %mul3A_44 = arith.mulf %mul3A_43, %add3A_39 : vector<1000x512xf32>
    %select_n3A = arith.select %ge3A_41, %add3A_39, %mul3A_44 : vector<1000x512xi1>, vector<1000x512xf32>
    %get3A_45 = arith.constant 0 : index
    %get3A_46 = arith.constant 0 : index
    %get3A_47 = vector.load %arg9[%get3A_45, %get3A_46] : memref<512x64xf32, #tpu.memory_space<vmem>>, vector<512x64xf32>
    %dot_general3A_48 = arith.constant dense<0.000000e+00> : vector<1000x64xf32>
    %dot_general3A_49 = tpu.matmul %select_n3A, %get3A_47, %dot_general3A_48 {dimension_numbers = #tpu.dot_dimension_numbers<[1], [0], [0], [1], [0, 0, 1, 1], [], []>, transpose_lhs_hint = false} : vector<1000x512xf32>, vector<512x64xf32>, vector<1000x64xf32> -> vector<1000x64xf32>
    %get3A_50 = arith.constant 0 : index
    %get3A_51 = arith.constant 0 : index
    %get3A_52 = vector.load %arg10[%get3A_50, %get3A_51] : memref<1x64xf32, #tpu.memory_space<vmem>>, vector<1x64xf32>
    %add3A_53 = vector.broadcast %get3A_52 : vector<1x64xf32> to vector<1000x64xf32>
    %add3A_54 = arith.addf %dot_general3A_49, %add3A_53 : vector<1000x64xf32>
    %reduce_max3A = arith.constant dense<0xFF800000> : vector<1000xf32>
    %reduce_max3A_55 = vector.multi_reduction <maximumf>, %add3A_54, %reduce_max3A [1] : vector<1000x64xf32> to vector<1000xf32>
    %broadcast_in_dim3A = vector.shape_cast %reduce_max3A_55 : vector<1000xf32> to vector<1000x1xf32>
    %sub3A = vector.broadcast %broadcast_in_dim3A : vector<1000x1xf32> to vector<1000x64xf32>
    %sub3A_56 = arith.subf %add3A_54, %sub3A : vector<1000x64xf32>
    %exp3A = math.exp %sub3A_56 : vector<1000x64xf32>
    %reduce_sum3A = arith.constant dense<0.000000e+00> : vector<1000xf32>
    %reduce_sum3A_57 = vector.multi_reduction <add>, %exp3A, %reduce_sum3A [1] : vector<1000x64xf32> to vector<1000xf32>
    %broadcast_in_dim3A_58 = vector.shape_cast %reduce_sum3A_57 : vector<1000xf32> to vector<1000x1xf32>
    %div3A = vector.broadcast %broadcast_in_dim3A_58 : vector<1000x1xf32> to vector<1000x64xf32>
    %div3A_59 = arith.divf %exp3A, %div3A : vector<1000x64xf32>
    %swap3A = arith.constant 0 : index
    %swap3A_60 = arith.constant 0 : index
    %swap3A_61 = vector.load %arg11[%swap3A, %swap3A_60] : memref<1000x64xf32, #tpu.memory_space<vmem>>, vector<1000x64xf32>
    tpu.vector_store %arg11[%swap3A, %swap3A_60], %div3A_59 {strides = array<i32>} : memref<1000x64xf32, #tpu.memory_space<vmem>>, vector<1000x64xf32>,
    return
  }
  func.func @transform_0(%arg0: i32) -> (i32, i32) {
    %c0_i32 = arith.constant 0 : i32
    %c0_i32_0 = arith.constant 0 : i32
    return %arg0, %c0_i32 : i32, i32
  }
  func.func @transform_1(%arg0: i32) -> (i32, i32, i32) {
    %c0_i32 = arith.constant 0 : i32
    %c0_i32_0 = arith.constant 0 : i32
    %c0_i32_1 = arith.constant 0 : i32
    return %c0_i32, %arg0, %c0_i32_0 : i32, i32, i32
  }
  func.func @transform_2(%arg0: i32) -> (i32, i32, i32) {
    %c1_i32 = arith.constant 1 : i32
    %c0_i32 = arith.constant 0 : i32
    %c0_i32_0 = arith.constant 0 : i32
    return %c1_i32, %arg0, %c0_i32 : i32, i32, i32
  }
  func.func @transform_3(%arg0: i32) -> (i32, i32) {
    %c0_i32 = arith.constant 0 : i32
    %c0_i32_0 = arith.constant 0 : i32
    return %arg0, %c0_i32 : i32, i32
  }
  func.func @transform_4(%arg0: i32) -> (i32, i32) {
    %c0_i32 = arith.constant 0 : i32
    %c0_i32_0 = arith.constant 0 : i32
    %c0_i32_1 = arith.constant 0 : i32
    return %c0_i32, %c0_i32_0 : i32, i32
  }
  func.func @transform_5(%arg0: i32) -> (i32, i32) {
    %c1_i32 = arith.constant 1 : i32
    %c0_i32 = arith.constant 0 : i32
    %c0_i32_0 = arith.constant 0 : i32
    return %c1_i32, %c0_i32 : i32, i32
  }
  func.func @transform_6(%arg0: i32) -> (i32, i32) {
    %c0_i32 = arith.constant 0 : i32
    %c0_i32_0 = arith.constant 0 : i32
    %c0_i32_1 = arith.constant 0 : i32
    return %c0_i32, %c0_i32_0 : i32, i32
  }
  func.func @transform_7(%arg0: i32) -> (i32, i32) {
    %c0_i32 = arith.constant 0 : i32
    %c0_i32_0 = arith.constant 0 : i32
    %c0_i32_1 = arith.constant 0 : i32
    return %c0_i32, %c0_i32_0 : i32, i32
  }
  func.func @transform_8(%arg0: i32) -> (i32, i32) {
    %c0_i32 = arith.constant 0 : i32
    %c0_i32_0 = arith.constant 0 : i32
    %c0_i32_1 = arith.constant 0 : i32
    return %c0_i32, %c0_i32_0 : i32, i32
  }
  func.func @transform_9(%arg0: i32) -> (i32, i32) {
    %c0_i32 = arith.constant 0 : i32
    %c0_i32_0 = arith.constant 0 : i32
    %c0_i32_1 = arith.constant 0 : i32
    return %c0_i32, %c0_i32_0 : i32, i32
  }
  func.func @transform_10(%arg0: i32) -> (i32, i32) {
    %c0_i32 = arith.constant 0 : i32
    %c0_i32_0 = arith.constant 0 : i32
    return %arg0, %c0_i32 : i32, i32
  }
}

</mosaic_0001>

<sc_bundles>
// kernel: kernel.6.cloned.1.call-start
scs
__scs_entry_jumppad:
0x0: {  	(pc) =	sbr.rel $0x88, $3  }
0x1: {  	(tag) =	ssettag $0x0;
	lr =	simm.s32 $0x1  }
0x2: {  	[smem:$0x3F9A] =	sst lr;
	_ =	strace $0xD0000000  }
0x3: {  	_ = 	snop  }
0x4: {  	_ = 	snop  }
0x5: {  	_ = 	snop  }
0x6: {  	_ = 	snop  }
0x7: {  	_ = 	snop  }
__scs_overlays_trampoline_lowered:
0x8: {  	[smem:$0x3FA9] =	sst s0  }
0x9: {  	[smem:$0x3FAA] =	sst s1  }
0xa: {  	[smem:$0x3FAB] =	sst s2  }
0xb: {  	[smem:$0x3FAC] =	sst s3  }
0xc: {  	[smem:$0x3FAD] =	sst s4  }
0xd: {  	[smem:$0x3FAE] =	sst s5  }
0xe: {  	[smem:$0x3FAF] =	sst s6  }
0xf: {  	[smem:$0x3FB0] =	sst s7  }
0x10: {  	[smem:$0x3FB1] =	sst s8  }
0x11: {  	[smem:$0x3FB2] =	sst s9;
	s0 =	simm.s32 @!p0 $0x0  }
0x12: {  	s1 =	sld [smem:$0x3F98];
	s0 =	simm.s32 @p0 $0x1  }
0x13: {  	[smem:$0x3FB3] =	sst s0;
	s0 =	simm.s32 @!p1 $0x0  }
0x14: {  	s2 =	sld [smem:$0x3F97];
	s0 =	simm.s32 @p1 $0x1  }
0x15: {  	[smem:$0x3FB4] =	sst s0;
	s0 =	simm.s32 @!p2 $0x0  }
0x16: {  	s3 =	sld [smem:$0x3FDB];
	s0 =	simm.s32 @p2 $0x1  }
0x17: {  	s4 =	simm.s32 $0x1BF5;
	[smem:$0x3FB6] =	sst s0  }
0x18: {  	s0 =	sld [smem:$0x3F99];
	_ =	swait.ge [sflag:s4], $0x0  }
0x19: {  	s7 =	sld [smem:$0x3F9A]  }
0x1a: {  	s8 =	sadd.s32 $0xFFFFE003, lr  }
0x1b: {  	s9 =	sadd.s32 $0xFFFFFEF7, lr;
	s5 =	simm.s32 $0xFFFFFFFF;
	p2 =	slt.u32 s8, $0xFFFFF086  }
0x1c: {  	p1 =	slt.u32 s9, $0xF7A;
	s5 =	simm.s32 @!p2 $0x0  }
0x1d: {  	s5 =	simm.s32 @p1 $0x1;
	p0 =	seq.s32 s7, s2  }
0x1e: {  	s7 =	smul.u32 @!p0 $0xF7A, s2;
	p2 =	seq.s32 @!p0 s5, $0x0  }
0x1f: {  	s9 =	smul.u32 $0xF7A, s1;
	s8 =	simm.s32 @!p0 $0x1BF5;
	p2 =	por !p2, p0  }
0x20: {  	[sflag:s8] =	ssyncset.s32 @!p0 $0xFFFFF086;
	s6 =	sadd.s32 @!p0 s3, s7;
	s7 =	simm.s32 @!p0 $0x108  }
0x21: {  	s3 =	sadd.s32 s3, s9;
	s6 =	sadd.s32 @!p0 $0x88, s6;
	s7 =	simm.s32 @p2 $0x1082  }
0x22: {  	[simem:s7], [sflag:s8] =	dma.local @!p0 [hbm:s6], $0xF7A  }
0x23: {  	s9 =	sor.u32 $0xD0000000, s2;
	s6 =	simm.s32 $0x108;
	_ =	swait.ge @!p0 [sflag:s8], $0x0  }
0x24: {  	s3 =	sadd.s32 $0x88, s3;
	s6 =	simm.s32 @!p1 $0x1082;
	[sflag:s4] =	ssyncset.s32 $0xFFFFF086  }
0x25: {  	[simem:s6], [sflag:s4] =	dma.local [hbm:s3], $0xF7A  }
0x26: {  	[smem:$0x3F9A] =	sst s1;
	(tag) =	ssettag s2;
	_ =	strace s9  }
0x27: {  	s1 =	sld [smem:$0x3FAA]  }
0x28: {  	s2 =	sld [smem:$0x3FAB]  }
0x29: {  	s4 =	sld [smem:$0x3FAD]  }
0x2a: {  	p0 =	seq.s32 s5, $0x0;
	s5 =	sld [smem:$0x3FAE]  }
0x2b: {  	s6 =	sld [smem:$0x3FAF]  }
0x2c: {  	s7 =	sld [smem:$0x3FB0]  }
0x2d: {  	s3 =	simm.s32 $0x108;
	s8 =	sld [smem:$0x3FB1]  }
0x2e: {  	s3 =	simm.s32 @!p0 $0x1082;
	s9 =	sld [smem:$0x3FB2]  }
0x2f: {  	lr =	sadd.s32 s0, s3;
	s0 =	sld [smem:$0x3FA9]  }
0x30: {  	s3 =	sld [smem:$0x3FAC]  }
0x31: {  	[smem:$0x3FB5] =	sst s10  }
0x32: {  	s10 =	sld [smem:$0x3FB3];
	_ =	sdelay $0x3  }
0x33: {  	p0 =	seq.s32 s10, $0x1;
	s10 =	sld [smem:$0x3FB5];
	_ =	sdelay $0x3  }
0x34: {  	[smem:$0x3FB5] =	sst s10  }
0x35: {  	s10 =	sld [smem:$0x3FB4];
	_ =	sdelay $0x3  }
0x36: {  	p1 =	seq.s32 s10, $0x1;
	s10 =	sld [smem:$0x3FB5];
	_ =	sdelay $0x3  }
0x37: {  	[smem:$0x3FB5] =	sst s10  }
0x38: {  	s10 =	sld [smem:$0x3FB6]  }
0x39: {  	_ = 	snop;
	(pc) =	sbr.ind lr, $3  }
0x3a: {  	_ = 	snop  }
0x3b: {  	_ = 	snop  }
0x3c: {  	p2 =	seq.s32 s10, $0x1;
	s10 =	sld [smem:$0x3FB5]  }
0x3d: {  	_ =	shalt  }
0x3e: {  	_ =	shalt  }
0x3f: {  	_ =	shalt  }
0x40: {  	_ =	shalt  }
0x41: {  	_ =	shalt  }
0x42: {  	_ =	shalt  }
0x43: {  	_ =	shalt  }
0x44: {  	_ =	shalt  }
0x45: {  	_ =	shalt  }
0x46: {  	_ =	shalt  }
0x47: {  	_ =	shalt  }
0x48: {  	_ =	shalt  }
0x49: {  	_ =	shalt  }
0x4a: {  	_ =	shalt  }
0x4b: {  	_ =	shalt  }
0x4c: {  	_ =	shalt  }
0x4d: {  	_ =	shalt  }
0x4e: {  	_ =	shalt  }
0x4f: {  	_ =	shalt  }
0x50: {  	_ =	shalt  }
0x51: {  	_ =	shalt  }
0x52: {  	_ =	shalt  }
0x53: {  	_ =	shalt  }
0x54: {  	_ =	shalt  }
0x55: {  	_ =	shalt  }
0x56: {  	_ =	shalt  }
0x57: {  	_ =	shalt  }
0x58: {  	_ =	shalt  }
0x59: {  	_ =	shalt  }
0x5a: {  	_ =	shalt  }
0x5b: {  	_ =	shalt  }
0x5c: {  	_ =	shalt  }
0x5d: {  	_ =	shalt  }
0x5e: {  	_ =	shalt  }
0x5f: {  	_ =	shalt  }
0x60: {  	_ =	shalt  }
0x61: {  	_ =	shalt  }
0x62: {  	_ =	shalt  }
0x63: {  	_ =	shalt  }
0x64: {  	_ =	shalt  }
0x65: {  	_ =	shalt  }
0x66: {  	_ =	shalt  }
0x67: {  	_ =	shalt  }
0x68: {  	_ =	shalt  }
0x69: {  	_ =	shalt  }
0x6a: {  	_ =	shalt  }
0x6b: {  	_ =	shalt  }
0x6c: {  	_ =	shalt  }
0x6d: {  	_ =	shalt  }
0x6e: {  	_ =	shalt  }
0x6f: {  	_ =	shalt  }
0x70: {  	_ =	shalt  }
0x71: {  	_ =	shalt  }
0x72: {  	_ =	shalt  }
0x73: {  	_ =	shalt  }
0x74: {  	_ =	shalt  }
0x75: {  	_ =	shalt  }
0x76: {  	_ =	shalt  }
0x77: {  	_ =	shalt  }
0x78: {  	_ =	shalt  }
0x79: {  	_ =	shalt  }
0x7a: {  	_ =	shalt  }
0x7b: {  	_ =	shalt  }
0x7c: {  	_ =	shalt  }
0x7d: {  	_ =	shalt  }
0x7e: {  	_ =	shalt  }
0x7f: {  	_ =	shalt  }
0x80: {  	_ =	shalt  }
0x81: {  	_ =	shalt  }
0x82: {  	_ =	shalt  }
0x83: {  	_ =	shalt  }
0x84: {  	_ =	shalt  }
0x85: {  	_ =	shalt  }
0x86: {  	_ =	shalt  }
0x87: {  	_ =	shalt  }
.Lfunc_end0:
.L_simem_size_0:
called_computation_lowered:
.L_overlay_start_0:
0x88: {  	s2 =	sld [smem:$0x3FD9]  }
0x89: {  	s3 =	sld [smem:$0x3FFE];
	_ =	sdelay $0x1  }
0x8a: {  	s1 =	srdreg.scid  }
0x8b: {  	s0 =	sand.u32 $0x1, s1  }
0x8c: {  	s17 =	sshll.u32 s0, $0xA;
	s2 =	sadd.s32 s3, s2  }
0x8d: {  	s2 =	sadd.s32 s2, s17  }
0x8e: {  	[smem:$0x3FC1] =	sst s2  }
0x8f: {  	_ = 	snop  }
0x90: {  	s2 =	sld [smem:$0x3FD0];
	(tm) =	ssettm $0x1  }
0x91: {  	s18 =	sld [smem:$0x3FFB];
	_ =	sdelay $0x3  }
0x92: {  	_ =	strace s18  }
0x93: {  	s3 =	sld [smem:$0x3FFC];
	_ =	sdelay $0x3  }
0x94: {  	_ =	strace s3  }
0x95: {  	s3 =	sld [smem:$0x3FFD];
	_ =	sdelay $0x3  }
0x96: {  	_ =	strace s3  }
0x97: {  	_ =	strace $0x8FFFFFFF  }
0x98: {  	s19 =	sld [smem:$0x3FDB];
	_ =	sdelay $0x1  }
0x99: {  	s4 =	simm.s32 $_scs_section_size  }
0x9a: {  	s5 =	simm.s32 $_size__tile_overlayer_lowered;
	s6 =	simm.s32 $_tile_overlayer_lowered  }
0x9b: {  	s22 =	simm.s32 $0x1BFF;
	s21 =	sshll.u32 s6, $0x1;
	s3 =	sadd.s32 s4, s19  }
0x9c: {  	s7 =	simm.s32 $0x0;
	s20 =	sshll.u32 s5, $0x1;
	s5 =	sadd.s32 s21, s3  }
0x9d: {  	[timem:s7], [sflag:s22] =	dma.local [hbm:s5], s20  }
0x9e: {  	_ =	swait.ge [sflag:s22], s20  }
0x9f: {  	s4 =	ssub.s32 $0x0, s20;
	[sflag:s22] =	ssyncset.done $0x0  }
0xa0: {  	[sflag:s22] =	ssyncadd.s32 s4;
	_ =	sdelay $0x1  }
0xa1: {  	s23 =	simm.s32 $0x1B8B  }
0xa2: {  	_ =	swait.ge [sflag:s23], $0x1  }
0xa3: {  	[sflag:s23] =	ssyncset.done $0x0  }
0xa4: {  	s25 =	simm.s32 $0x1B8E;
	s24 =	sld [smem:$0x3FFE];
	[sflag:s23] =	ssyncadd.s32 $0xFFFFFFFF  }
0xa5: {  	s26 =	simm.s32 $execute0_lowered;
	[smem:$0x3FD2] =	sst s25  }
0xa6: {  	s5 =	sshll.u32 s26, $0x1;
	_ =	strace $0x80000046;
	[dreg:$0x1] =	wrdreg $0xFFFFFFFF  }
0xa7: {  	s28 =	simm.s32 $_size_execute0_lowered;
	s3 =	sadd.s32 s3, s5;
	[dreg:$0x0] =	wrdreg $0x0  }
0xa8: {  	s5 =	sshll.u32 s28, $0x1;
	[dreg:$0x2] =	wrdreg s3  }
0xa9: {  	[dreg:$0x3] =	wrdreg s5  }
0xaa: {  	[dreg:$0x4] =	wrdreg $0xC0  }
0xab: {  	_ =	task [dreg:s7], $0x5FFFF  }
0xac: {  	[dreg:$0x1] =	wrdreg $0xFFFFFFFF  }
0xad: {  	[dreg:$0x0] =	wrdreg $0x60  }
0xae: {  	[dreg:$0x2] =	wrdreg s2  }
0xaf: {  	[dreg:$0x3] =	wrdreg s24  }
0xb0: {  	[dreg:$0x4] =	wrdreg $0x78000  }
0xb1: {  	[dreg:$0x5] =	wrdreg $0x9  }
0xb2: {  	_ =	task.clear_ibuf [dreg:s7], $0x6FFFF;
	_ =	strace $0x90000046  }
0xb3: {  	s29 =	simm.s32 $0x9;
	_ =	strace $0x80000048  }
0xb4: {  	_ =	swait.ge [sflag:s29], $0x1  }
0xb5: {  	[sflag:s29] =	ssyncadd.s32 $0xFFFFFFFF  }
0xb6: {  	_ =	strace $0x90000048  }
0xb7: {  	_ =	sfence  }
0xb8: {  	s30 =	sld [smem:$0x0];
	_ =	sdelay $0x2  }
0xb9: {  	s31 =	sshll.u32 s1, $0xD;
	s1 =	sshrl.u32 s1, $0x2  }
0xba: {  	s3 =	sand.u32 $0x4000, s31;
	s1 =	sadd.s32 s1, s30  }
0xbb: {  	s0 =	sor.u32 s3, s0;
	s1 =	sshll.u32 s1, $0x11  }
0xbc: {  	s0 =	sor.u32 s1, s0  }
0xbd: {  	s0 =	sadd.s32 $0x8F2B, s0  }
0xbe: {  	[sflag:s0] =	ssyncadd.remote.s32 $0x1  }
0xbf: {  	_ =	sfence.sel $0xFFFF  }
0xc0: {  	[dreg:$0x0] =	wrdreg $0xFFFFFFFF;
	(pc) =	sbr.abs _section_cstart, $3  }
0xc1: {  	[dreg:$0x1] =	wrdreg $0xFFFFFFFF  }
0xc2: {  	_ =	task.clear_ibuf [dreg:s7], $0x2FFFF;
	_ =	strace $0x9FFFFFFF  }
0xc3: {  	(tm) =	ssettm $0x7FFFFFFF  }
tec
execute0_lowered:
.L_overlay_start_1:
0x0: {  	(tag) =	ssettag $0x1  }
0x1: {  	s0 =	rddreg [dreg:$0x0]  }
0x2: {  	s1 =	rddreg [dreg:$0x1];
	s15 =	stileid.u32  }
0x3: {  	s3 =	srdreg.scid;
	s5 =	smul.u32 $0x14000, s15  }
0x4: {  	s2 =	rddreg [dreg:$0x2];
	s28 =	simm.s32 $0x6800;
	s6 =	smul.u32 $0x50000, s15  }
0x5: {  	s29 =	simm.s32 $0x1;
	s13 =	sand.u32 $0x1, s3;
	s21 =	smul.u32 $0x2800, s15  }
0x6: {  	s30 =	simm.s32 $0x80;
	s3 =	simm.s32 $0x0;
	s4 =	smul.u32 $0x140000, s13  }
0x7: {  	[smem:$0x7FF] =	sst s3;
	s26 =	ssub.s32 $0x2, s13;
	s20 =	smul.u32 $0x28000, s13  }
0x8: {  	s31 =	simm.s32 $0x2800;
	_ =	strace $0x80000047;
	s7 =	sshrl.u32 s26, $0x1  }
0x9: {  	s6 =	sshrl.u32 s6, $0x2;
	s4 =	sadd.s32 s5, s4;
	s22 =	sadd.s32 s21, s20  }
0xa: {  	s25 =	ssub.s32 s26, s7;
	s4 =	sshrl.u32 s4, $0x3;
	s22 =	sshrl.u32 s22, $0x3  }
0xb: {  	s25 =	smax.u32 s25, $0x1;
	s1 =	sadd.s32 s4, s1;
	s4 =	sadd.s32 s6, s2  }
0xc: {  	s22 =	sadd.s32 s0, s22;
	s5 =	sadd.s32 $0x1000, s4;
	s6 =	sadd.s32 $0x2000, s4  }
0xd: {  	s7 =	sadd.s32 $0x3000, s4;
	s8 =	sadd.s32 $0x4000, s4;
	s9 =	sadd.s32 $0x5000, s4  }
0xe: {  	s10 =	sadd.s32 $0x6000, s4;
	s11 =	sadd.s32 $0x7000, s4;
	s12 =	sadd.s32 $0x8000, s4  }
0xf: {  	s13 =	sadd.s32 $0x9000, s4;
	s14 =	sadd.s32 $0xA000, s4;
	s15 =	sadd.s32 $0xB000, s4  }
0x10: {  	s16 =	sadd.s32 $0xC000, s4;
	s17 =	sadd.s32 $0xD000, s4;
	s18 =	sadd.s32 $0xE000, s4  }
0x11: {  	s19 =	sadd.s32 $0xF000, s4;
	s20 =	sadd.s32 $0x10000, s4;
	s21 =	sadd.s32 $0x11000, s4  }
0x12: {  	v0 =	vimm.f32 $0.0e+00;
	v1 =	vimm.f32 $1.000000000e+00;
	s23 =	sadd.s32 $0x12000, s4;
	s24 =	sadd.s32 $0x1C00, s1;
	s26 =	sadd.s32 $0x13000, s4  }
.LBB2_1:
0x13: {  	s0 =	simm.s32 $0x0;
	s1 =	simm.s32 $0x200  }
.LBB2_2:
0x14: {  	p0 =	sne.s32 s1, $0x3E00;
	[tilespmem:s0+$0x6870] =	vst v0  }
0x15: {  	[tilespmem:s0+$0x6800] =	vst v0  }
0x16: {  	[tilespmem:s0+$0x6810] =	vst v0  }
.Ltmp0:
0x17: {  	[tilespmem:s0+$0x6820] =	vst v0;
	(pc) =	sbr.rel @p0 .LBB2_2-.Ltmp0, $4  }
0x18: {  	[tilespmem:s0+$0x6830] =	vst v0  }
0x19: {  	[tilespmem:s0+$0x6840] =	vst v0  }
0x1a: {  	[tilespmem:s0+$0x6850] =	vst v0  }
0x1b: {  	[tilespmem:s0+$0x6860] =	vst v0;
	s0 =	sshra.s32 s1, $0x2;
	s1 =	sadd.s32 $0x200, s1  }
0x1c: {  	[tilespmem:s0+$0x6870] =	vst v0  }
0x1d: {  	[tilespmem:s0+$0x6800] =	vst v0  }
0x1e: {  	[tilespmem:s0+$0x6810] =	vst v0  }
0x1f: {  	[tilespmem:s0+$0x6820] =	vst v0  }
0x20: {  	[tilespmem:s0+$0x6830] =	vst v0  }
0x21: {  	[tilespmem:s0+$0x6840] =	vst v0  }
0x22: {  	[tilespmem:s0+$0x6850] =	vst v0  }
0x23: {  	[tilespmem:s0+$0x6860] =	vst v0;
	s0 =	simm.s32 $0x0;
	s1 =	simm.s32 $0x200  }
.LBB2_4:
0x24: {  	p0 =	sne.s32 s1, $0xFE00;
	[tilespmem:s0+$0x2870] =	vst v1  }
0x25: {  	[tilespmem:s0+$0x2800] =	vst v1  }
0x26: {  	[tilespmem:s0+$0x2810] =	vst v1  }
.Ltmp1:
0x27: {  	[tilespmem:s0+$0x2820] =	vst v1;
	(pc) =	sbr.rel @p0 .LBB2_4-.Ltmp1, $4  }
0x28: {  	[tilespmem:s0+$0x2830] =	vst v1  }
0x29: {  	[tilespmem:s0+$0x2840] =	vst v1  }
0x2a: {  	[tilespmem:s0+$0x2850] =	vst v1  }
0x2b: {  	[tilespmem:s0+$0x2860] =	vst v1;
	s0 =	sshra.s32 s1, $0x2;
	s1 =	sadd.s32 $0x200, s1  }
0x2c: {  	[tilespmem:s0+$0x2870] =	vst v1  }
0x2d: {  	[tilespmem:s0+$0x2800] =	vst v1  }
0x2e: {  	[tilespmem:s0+$0x2810] =	vst v1  }
0x2f: {  	[tilespmem:s0+$0x2820] =	vst v1  }
0x30: {  	[tilespmem:s0+$0x2830] =	vst v1  }
0x31: {  	[tilespmem:s0+$0x2840] =	vst v1  }
0x32: {  	[tilespmem:s0+$0x2850] =	vst v1  }
0x33: {  	[tilespmem:s0+$0x2860] =	vst v1  }
0x34: {  	[spmem:s4] =	stream.linear.scatter [tilespmem:s28], [sflag:$0x1], $0x1000, $0x38;
	[tilespmem:$0x1B800] =	vst v63  }
0x35: {  	_ =	swait.ge [sflag:s29], $0x1000  }
0x36: {  	[sflag:s29] =	ssyncset.done $0x0  }
0x37: {  	[sflag:s29] =	ssyncadd.s32 $0xFFFFF000  }
0x38: {  	[spmem:s5] =	stream.linear.scatter [tilespmem:s28], [sflag:$0x1], $0x1000, $0x38;
	[tilespmem:$0x1B800] =	vst v63  }
0x39: {  	_ =	swait.ge [sflag:s29], $0x1000  }
0x3a: {  	[sflag:s29] =	ssyncset.done $0x0  }
0x3b: {  	[sflag:s29] =	ssyncadd.s32 $0xFFFFF000  }
0x3c: {  	[spmem:s6] =	stream.linear.scatter [tilespmem:s28], [sflag:$0x1], $0x1000, $0x38;
	[tilespmem:$0x1B800] =	vst v63  }
0x3d: {  	_ =	swait.ge [sflag:s29], $0x1000  }
0x3e: {  	[sflag:s29] =	ssyncset.done $0x0  }
0x3f: {  	[sflag:s29] =	ssyncadd.s32 $0xFFFFF000  }
0x40: {  	[spmem:s7] =	stream.linear.scatter [tilespmem:s28], [sflag:$0x1], $0x1000, $0x38;
	[tilespmem:$0x1B800] =	vst v63  }
0x41: {  	_ =	swait.ge [sflag:s29], $0x1000  }
0x42: {  	[sflag:s29] =	ssyncset.done $0x0  }
0x43: {  	[sflag:s29] =	ssyncadd.s32 $0xFFFFF000  }
0x44: {  	[spmem:s8] =	stream.linear.scatter [tilespmem:s28], [sflag:$0x1], $0x1000, $0x38;
	[tilespmem:$0x1B800] =	vst v63  }
0x45: {  	_ =	swait.ge [sflag:s29], $0x1000  }
0x46: {  	[sflag:s29] =	ssyncset.done $0x0  }
0x47: {  	[sflag:s29] =	ssyncadd.s32 $0xFFFFF000  }
0x48: {  	[spmem:s9] =	stream.linear.scatter [tilespmem:s28], [sflag:$0x1], $0x1000, $0x38;
	[tilespmem:$0x1B800] =	vst v63  }
0x49: {  	_ =	swait.ge [sflag:s29], $0x1000  }
0x4a: {  	[sflag:s29] =	ssyncset.done $0x0  }
0x4b: {  	[sflag:s29] =	ssyncadd.s32 $0xFFFFF000  }
0x4c: {  	[spmem:s10] =	stream.linear.scatter [tilespmem:s28], [sflag:$0x1], $0x1000, $0x38;
	[tilespmem:$0x1B800] =	vst v63  }
0x4d: {  	_ =	swait.ge [sflag:s29], $0x1000  }
0x4e: {  	[sflag:s29] =	ssyncset.done $0x0  }
0x4f: {  	[sflag:s29] =	ssyncadd.s32 $0xFFFFF000  }
0x50: {  	[spmem:s11] =	stream.linear.scatter [tilespmem:s28], [sflag:$0x1], $0x1000, $0x38;
	[tilespmem:$0x1B800] =	vst v63  }
0x51: {  	_ =	swait.ge [sflag:s29], $0x1000  }
0x52: {  	[sflag:s29] =	ssyncset.done $0x0  }
0x53: {  	[sflag:s29] =	ssyncadd.s32 $0xFFFFF000  }
0x54: {  	[spmem:s12] =	stream.linear.scatter [tilespmem:s28], [sflag:$0x1], $0x1000, $0x38;
	[tilespmem:$0x1B800] =	vst v63  }
0x55: {  	_ =	swait.ge [sflag:s29], $0x1000  }
0x56: {  	[sflag:s29] =	ssyncset.done $0x0  }
0x57: {  	[sflag:s29] =	ssyncadd.s32 $0xFFFFF000  }
0x58: {  	[spmem:s13] =	stream.linear.scatter [tilespmem:s28], [sflag:$0x1], $0x1000, $0x38;
	[tilespmem:$0x1B800] =	vst v63  }
0x59: {  	_ =	swait.ge [sflag:s29], $0x1000  }
0x5a: {  	[sflag:s29] =	ssyncset.done $0x0  }
0x5b: {  	[sflag:s29] =	ssyncadd.s32 $0xFFFFF000  }
0x5c: {  	[spmem:s14] =	stream.linear.scatter [tilespmem:s28], [sflag:$0x1], $0x1000, $0x38;
	[tilespmem:$0x1B800] =	vst v63  }
0x5d: {  	_ =	swait.ge [sflag:s29], $0x1000  }
0x5e: {  	[sflag:s29] =	ssyncset.done $0x0  }
0x5f: {  	[sflag:s29] =	ssyncadd.s32 $0xFFFFF000  }
0x60: {  	[spmem:s15] =	stream.linear.scatter [tilespmem:s28], [sflag:$0x1], $0x1000, $0x38;
	[tilespmem:$0x1B800] =	vst v63  }
0x61: {  	_ =	swait.ge [sflag:s29], $0x1000  }
0x62: {  	[sflag:s29] =	ssyncset.done $0x0  }
0x63: {  	[sflag:s29] =	ssyncadd.s32 $0xFFFFF000  }
0x64: {  	[spmem:s16] =	stream.linear.scatter [tilespmem:s28], [sflag:$0x1], $0x1000, $0x38;
	[tilespmem:$0x1B800] =	vst v63  }
0x65: {  	_ =	swait.ge [sflag:s29], $0x1000  }
0x66: {  	[sflag:s29] =	ssyncset.done $0x0  }
0x67: {  	[sflag:s29] =	ssyncadd.s32 $0xFFFFF000  }
0x68: {  	[spmem:s17] =	stream.linear.scatter [tilespmem:s28], [sflag:$0x1], $0x1000, $0x38;
	[tilespmem:$0x1B800] =	vst v63  }
0x69: {  	_ =	swait.ge [sflag:s29], $0x1000  }
0x6a: {  	[sflag:s29] =	ssyncset.done $0x0  }
0x6b: {  	[sflag:s29] =	ssyncadd.s32 $0xFFFFF000  }
0x6c: {  	[spmem:s18] =	stream.linear.scatter [tilespmem:s28], [sflag:$0x1], $0x1000, $0x38;
	[tilespmem:$0x1B800] =	vst v63  }
0x6d: {  	_ =	swait.ge [sflag:s29], $0x1000  }
0x6e: {  	[sflag:s29] =	ssyncset.done $0x0  }
0x6f: {  	[sflag:s29] =	ssyncadd.s32 $0xFFFFF000  }
0x70: {  	[spmem:s19] =	stream.linear.scatter [tilespmem:s28], [sflag:$0x1], $0x1000, $0x38;
	[tilespmem:$0x1B800] =	vst v63  }
0x71: {  	_ =	swait.ge [sflag:s29], $0x1000  }
0x72: {  	[sflag:s29] =	ssyncset.done $0x0  }
0x73: {  	[sflag:s29] =	ssyncadd.s32 $0xFFFFF000  }
0x74: {  	[spmem:s20] =	stream.linear.scatter [tilespmem:s28], [sflag:$0x1], $0x1000, $0x38;
	[tilespmem:$0x1B800] =	vst v63  }
0x75: {  	_ =	swait.ge [sflag:s29], $0x1000  }
0x76: {  	[sflag:s29] =	ssyncset.done $0x0  }
0x77: {  	[sflag:s29] =	ssyncadd.s32 $0xFFFFF000  }
0x78: {  	[spmem:s21] =	stream.linear.scatter [tilespmem:s28], [sflag:$0x1], $0x1000, $0x38;
	[tilespmem:$0x1B800] =	vst v63  }
0x79: {  	_ =	swait.ge [sflag:s29], $0x1000  }
0x7a: {  	[sflag:s29] =	ssyncset.done $0x0  }
0x7b: {  	[sflag:s29] =	ssyncadd.s32 $0xFFFFF000  }
0x7c: {  	[spmem:s23] =	stream.linear.scatter [tilespmem:s28], [sflag:$0x1], $0x1000, $0x38;
	[tilespmem:$0x1B800] =	vst v63  }
0x7d: {  	_ =	swait.ge [sflag:s29], $0x1000  }
0x7e: {  	[sflag:s29] =	ssyncset.done $0x0  }
0x7f: {  	[sflag:s29] =	ssyncadd.s32 $0xFFFFF000  }
0x80: {  	[spmem:s26] =	stream.linear.scatter [tilespmem:s28], [sflag:$0x1], $0x1000, $0x38;
	[tilespmem:$0x1B800] =	vst v63  }
0x81: {  	_ =	swait.ge [sflag:s29], $0x1000  }
0x82: {  	[sflag:s29] =	ssyncset.done $0x0  }
0x83: {  	[sflag:s29] =	ssyncadd.s32 $0xFFFFF000  }
0x84: {  	s1 =	simm.s32 $0x0;
	[bflag:$0x0] =	sbarrier.arrive $0xFFFF  }
0x85: {  	[tilespmem:s1], [sflag:$0x1] =	stream.linear.gather [hbm4b:s22+s1], $0x2780, $0x38;
	[tilespmem:$0x1B800] =	vst v63  }
0x86: {  	_ =	swait.ge [sflag:s29], $0x2780  }
0x87: {  	[sflag:s29] =	ssyncset.done $0x0  }
0x88: {  	s1 =	simm.s32 $0x0;
	[sflag:s29] =	ssyncadd.s32 $0xFFFFD880  }
0x89: {  	[spmem:s2] =	stream.indirect.scatter.add.f32 [tilespmem:s31], [sflag:$0x1], $0x80, s1, s30, $0xb8;
	[tilespmem:$0x1B800] =	vst v63  }
0x8a: {  	_ =	swait.ge [sflag:s29], $0x4000  }
0x8b: {  	s0 =	simm.s32 $0x200;
	[sflag:s29] =	ssyncset.done $0x0  }
.LBB2_6:
0x8c: {  	s1 =	sshra.s32 s0, $0x2;
	[sflag:s29] =	ssyncadd.s32 $0xFFFFC000;
	p0 =	sne.s32 s0, $0x9C00  }
0x8d: {  	[spmem:s2] =	stream.indirect.scatter.add.f32 [tilespmem:s31], [sflag:$0x1], $0x80, s1, s30, $0xb8;
	[tilespmem:$0x1B800] =	vst v63  }
.Ltmp2:
0x8e: {  	_ = 	snop;
	(pc) =	sbr.rel @p0 .LBB2_6-.Ltmp2, $4  }
0x8f: {  	_ = 	snop  }
0x90: {  	s0 =	sadd.s32 $0x200, s0  }
0x91: {  	_ =	swait.ge [sflag:s29], $0x4000  }
0x92: {  	[sflag:s29] =	ssyncset.done $0x0  }
0x93: {  	[sflag:s29] =	ssyncadd.s32 $0xFFFFC000;
	s0 =	stileid.u32;
	s3 =	sadd.s32 $0x1, s3  }
0x94: {  	s1 =	sshrl.u32 s4, $0x3;
	s0 =	sshll.u32 s0, $0x6;
	p0 =	sne.s32 s3, s25  }
.Ltmp3:
0x95: {  	[bflag:$0x0] =	sbarrier.arrive $0xFFFF;
	s0 =	sor.u32 $0x1C01, s0;
	(pc) =	sbr.rel @p0 .LBB2_1-.Ltmp3, $4  }
0x96: {  	[hbm:s24], [sflag:s0] =	dma.local [spmem:s1], $0x2800  }
0x97: {  	_ =	swait.ge [sflag:s29], $0x2800  }
0x98: {  	[sflag:s29] =	ssyncset.done $0x0  }
0x99: {  	[sflag:s29] =	ssyncadd.s32 $0xFFFFD800  }
0x9a: {  	_ =	sfence.sel $0x180000  }
0x9b: {  	[bflag:$0x0] =	sbarrier.arrive $0xFFFF  }
0x9c: {  	_ =	strace $0x90000047  }
0x9d: {  	s0 =	stileid.u32;
	[bflag:$0x2] =	sbarrier.arrive $0xFFFF  }
0x9e: {  	p0 =	sne.s32 s0, $0x0;
	s0 =	rddreg [dreg:$0x3]  }
0x9f: {  	s0 =	sadd.s32 @!p0 $0x100000, s0  }
0xa0: {  	[sflag:s0] =	ssyncadd.tile.s32 @!p0 $0x1;
	_ =	shalt  }
.Lfunc_end2:
_tile_overlayer_lowered:
.L_overlay_start_2:
0xa1: {  	(tag) =	ssettag $0x2  }
0xa2: {  	s0 =	rddreg [dreg:$0x0];
	s2 =	stileid.u32  }
0xa3: {  	s1 =	rddreg [dreg:$0x1];
	p0 =	sne.s32 s2, $0x0  }
0xa4: {  	s3 =	rddreg [dreg:$0x2];
	[bflag:$0x3] =	sbarrier.arrive $0xFFFF;
	s2 =	simm.s32 @!p0 $0x1C01  }
0xa5: {  	[timem:s3], [sflag:s2] =	dma.local @!p0 [hbm:s0], s1  }
0xa6: {  	s0 =	simm.s32 @!p0 $0x1  }
0xa7: {  	_ =	swait.ge @!p0 [sflag:s0], s1  }
0xa8: {  	s1 =	ssub.s32 @!p0 $0x0, s1;
	[sflag:s0] =	ssyncset.done @!p0 $0x0  }
0xa9: {  	[sflag:s0] =	ssyncadd.s32 @!p0 s1  }
0xaa: {  	[bflag:$0x3] =	sbarrier.arrive $0xFFFF  }
0xab: {  	_ =	shalt  }

// kernel: kernel.9.cloned.1.call-start
scs
__scs_entry_jumppad:
0x0: {  	(pc) =	sbr.rel $0x88, $3  }
0x1: {  	(tag) =	ssettag $0x0;
	lr =	simm.s32 $0x1  }
0x2: {  	[smem:$0x3F9A] =	sst lr;
	_ =	strace $0xD0000000  }
0x3: {  	_ = 	snop  }
0x4: {  	_ = 	snop  }
0x5: {  	_ = 	snop  }
0x6: {  	_ = 	snop  }
0x7: {  	_ = 	snop  }
__scs_overlays_trampoline_lowered:
0x8: {  	[smem:$0x3FA9] =	sst s0  }
0x9: {  	[smem:$0x3FAA] =	sst s1  }
0xa: {  	[smem:$0x3FAB] =	sst s2  }
0xb: {  	[smem:$0x3FAC] =	sst s3  }
0xc: {  	[smem:$0x3FAD] =	sst s4  }
0xd: {  	[smem:$0x3FAE] =	sst s5  }
0xe: {  	[smem:$0x3FAF] =	sst s6  }
0xf: {  	[smem:$0x3FB0] =	sst s7  }
0x10: {  	[smem:$0x3FB1] =	sst s8  }
0x11: {  	[smem:$0x3FB2] =	sst s9;
	s0 =	simm.s32 @!p0 $0x0  }
0x12: {  	s1 =	sld [smem:$0x3F98];
	s0 =	simm.s32 @p0 $0x1  }
0x13: {  	[smem:$0x3FB3] =	sst s0;
	s0 =	simm.s32 @!p1 $0x0  }
0x14: {  	s2 =	sld [smem:$0x3F97];
	s0 =	simm.s32 @p1 $0x1  }
0x15: {  	[smem:$0x3FB4] =	sst s0;
	s0 =	simm.s32 @!p2 $0x0  }
0x16: {  	s3 =	sld [smem:$0x3FDB];
	s0 =	simm.s32 @p2 $0x1  }
0x17: {  	s4 =	simm.s32 $0x1BF5;
	[smem:$0x3FB6] =	sst s0  }
0x18: {  	s0 =	sld [smem:$0x3F99];
	_ =	swait.ge [sflag:s4], $0x0  }
0x19: {  	s7 =	sld [smem:$0x3F9A]  }
0x1a: {  	s8 =	sadd.s32 $0xFFFFE003, lr  }
0x1b: {  	s9 =	sadd.s32 $0xFFFFFEF7, lr;
	s5 =	simm.s32 $0xFFFFFFFF;
	p2 =	slt.u32 s8, $0xFFFFF086  }
0x1c: {  	p1 =	slt.u32 s9, $0xF7A;
	s5 =	simm.s32 @!p2 $0x0  }
0x1d: {  	s5 =	simm.s32 @p1 $0x1;
	p0 =	seq.s32 s7, s2  }
0x1e: {  	s7 =	smul.u32 @!p0 $0xF7A, s2;
	p2 =	seq.s32 @!p0 s5, $0x0  }
0x1f: {  	s9 =	smul.u32 $0xF7A, s1;
	s8 =	simm.s32 @!p0 $0x1BF5;
	p2 =	por !p2, p0  }
0x20: {  	[sflag:s8] =	ssyncset.s32 @!p0 $0xFFFFF086;
	s6 =	sadd.s32 @!p0 s3, s7;
	s7 =	simm.s32 @!p0 $0x108  }
0x21: {  	s3 =	sadd.s32 s3, s9;
	s6 =	sadd.s32 @!p0 $0x88, s6;
	s7 =	simm.s32 @p2 $0x1082  }
0x22: {  	[simem:s7], [sflag:s8] =	dma.local @!p0 [hbm:s6], $0xF7A  }
0x23: {  	s9 =	sor.u32 $0xD0000000, s2;
	s6 =	simm.s32 $0x108;
	_ =	swait.ge @!p0 [sflag:s8], $0x0  }
0x24: {  	s3 =	sadd.s32 $0x88, s3;
	s6 =	simm.s32 @!p1 $0x1082;
	[sflag:s4] =	ssyncset.s32 $0xFFFFF086  }
0x25: {  	[simem:s6], [sflag:s4] =	dma.local [hbm:s3], $0xF7A  }
0x26: {  	[smem:$0x3F9A] =	sst s1;
	(tag) =	ssettag s2;
	_ =	strace s9  }
0x27: {  	s1 =	sld [smem:$0x3FAA]  }
0x28: {  	s2 =	sld [smem:$0x3FAB]  }
0x29: {  	s4 =	sld [smem:$0x3FAD]  }
0x2a: {  	p0 =	seq.s32 s5, $0x0;
	s5 =	sld [smem:$0x3FAE]  }
0x2b: {  	s6 =	sld [smem:$0x3FAF]  }
0x2c: {  	s7 =	sld [smem:$0x3FB0]  }
0x2d: {  	s3 =	simm.s32 $0x108;
	s8 =	sld [smem:$0x3FB1]  }
0x2e: {  	s3 =	simm.s32 @!p0 $0x1082;
	s9 =	sld [smem:$0x3FB2]  }
0x2f: {  	lr =	sadd.s32 s0, s3;
	s0 =	sld [smem:$0x3FA9]  }
0x30: {  	s3 =	sld [smem:$0x3FAC]  }
0x31: {  	[smem:$0x3FB5] =	sst s10  }
0x32: {  	s10 =	sld [smem:$0x3FB3];
	_ =	sdelay $0x3  }
0x33: {  	p0 =	seq.s32 s10, $0x1;
	s10 =	sld [smem:$0x3FB5];
	_ =	sdelay $0x3  }
0x34: {  	[smem:$0x3FB5] =	sst s10  }
0x35: {  	s10 =	sld [smem:$0x3FB4];
	_ =	sdelay $0x3  }
0x36: {  	p1 =	seq.s32 s10, $0x1;
	s10 =	sld [smem:$0x3FB5];
	_ =	sdelay $0x3  }
0x37: {  	[smem:$0x3FB5] =	sst s10  }
0x38: {  	s10 =	sld [smem:$0x3FB6]  }
0x39: {  	_ = 	snop;
	(pc) =	sbr.ind lr, $3  }
0x3a: {  	_ = 	snop  }
0x3b: {  	_ = 	snop  }
0x3c: {  	p2 =	seq.s32 s10, $0x1;
	s10 =	sld [smem:$0x3FB5]  }
0x3d: {  	_ =	shalt  }
0x3e: {  	_ =	shalt  }
0x3f: {  	_ =	shalt  }
0x40: {  	_ =	shalt  }
0x41: {  	_ =	shalt  }
0x42: {  	_ =	shalt  }
0x43: {  	_ =	shalt  }
0x44: {  	_ =	shalt  }
0x45: {  	_ =	shalt  }
0x46: {  	_ =	shalt  }
0x47: {  	_ =	shalt  }
0x48: {  	_ =	shalt  }
0x49: {  	_ =	shalt  }
0x4a: {  	_ =	shalt  }
0x4b: {  	_ =	shalt  }
0x4c: {  	_ =	shalt  }
0x4d: {  	_ =	shalt  }
0x4e: {  	_ =	shalt  }
0x4f: {  	_ =	shalt  }
0x50: {  	_ =	shalt  }
0x51: {  	_ =	shalt  }
0x52: {  	_ =	shalt  }
0x53: {  	_ =	shalt  }
0x54: {  	_ =	shalt  }
0x55: {  	_ =	shalt  }
0x56: {  	_ =	shalt  }
0x57: {  	_ =	shalt  }
0x58: {  	_ =	shalt  }
0x59: {  	_ =	shalt  }
0x5a: {  	_ =	shalt  }
0x5b: {  	_ =	shalt  }
0x5c: {  	_ =	shalt  }
0x5d: {  	_ =	shalt  }
0x5e: {  	_ =	shalt  }
0x5f: {  	_ =	shalt  }
0x60: {  	_ =	shalt  }
0x61: {  	_ =	shalt  }
0x62: {  	_ =	shalt  }
0x63: {  	_ =	shalt  }
0x64: {  	_ =	shalt  }
0x65: {  	_ =	shalt  }
0x66: {  	_ =	shalt  }
0x67: {  	_ =	shalt  }
0x68: {  	_ =	shalt  }
0x69: {  	_ =	shalt  }
0x6a: {  	_ =	shalt  }
0x6b: {  	_ =	shalt  }
0x6c: {  	_ =	shalt  }
0x6d: {  	_ =	shalt  }
0x6e: {  	_ =	shalt  }
0x6f: {  	_ =	shalt  }
0x70: {  	_ =	shalt  }
0x71: {  	_ =	shalt  }
0x72: {  	_ =	shalt  }
0x73: {  	_ =	shalt  }
0x74: {  	_ =	shalt  }
0x75: {  	_ =	shalt  }
0x76: {  	_ =	shalt  }
0x77: {  	_ =	shalt  }
0x78: {  	_ =	shalt  }
0x79: {  	_ =	shalt  }
0x7a: {  	_ =	shalt  }
0x7b: {  	_ =	shalt  }
0x7c: {  	_ =	shalt  }
0x7d: {  	_ =	shalt  }
0x7e: {  	_ =	shalt  }
0x7f: {  	_ =	shalt  }
0x80: {  	_ =	shalt  }
0x81: {  	_ =	shalt  }
0x82: {  	_ =	shalt  }
0x83: {  	_ =	shalt  }
0x84: {  	_ =	shalt  }
0x85: {  	_ =	shalt  }
0x86: {  	_ =	shalt  }
0x87: {  	_ =	shalt  }
.Lfunc_end0:
.L_simem_size_0:
called_computation.1_lowered:
.L_overlay_start_0:
0x88: {  	s2 =	sld [smem:$0x3FD9]  }
0x89: {  	s3 =	sld [smem:$0x3FFE];
	_ =	sdelay $0x1  }
0x8a: {  	s1 =	srdreg.scid  }
0x8b: {  	s0 =	sand.u32 $0x1, s1  }
0x8c: {  	s16 =	sshll.u32 s0, $0xA;
	s2 =	sadd.s32 s3, s2  }
0x8d: {  	s2 =	sadd.s32 s2, s16  }
0x8e: {  	[smem:$0x3FC1] =	sst s2  }
0x8f: {  	_ = 	snop  }
0x90: {  	(tm) =	ssettm $0x1  }
0x91: {  	s17 =	sld [smem:$0x3FFB];
	_ =	sdelay $0x3  }
0x92: {  	_ =	strace s17  }
0x93: {  	s2 =	sld [smem:$0x3FFC];
	_ =	sdelay $0x3  }
0x94: {  	_ =	strace s2  }
0x95: {  	s2 =	sld [smem:$0x3FFD];
	_ =	sdelay $0x3  }
0x96: {  	_ =	strace s2  }
0x97: {  	_ =	strace $0x8FFFFFFF  }
0x98: {  	s18 =	sld [smem:$0x3FDB];
	_ =	sdelay $0x1  }
0x99: {  	s19 =	simm.s32 $_scs_section_size  }
0x9a: {  	s4 =	simm.s32 $_size__tile_overlayer_lowered;
	s5 =	simm.s32 $_tile_overlayer_lowered  }
0x9b: {  	s22 =	simm.s32 $0x1BFF;
	s21 =	sshll.u32 s5, $0x1;
	s2 =	sadd.s32 s19, s18  }
0x9c: {  	s6 =	simm.s32 $0x0;
	s20 =	sshll.u32 s4, $0x1;
	s4 =	sadd.s32 s21, s2  }
0x9d: {  	[timem:s6], [sflag:s22] =	dma.local [hbm:s4], s20  }
0x9e: {  	_ =	swait.ge [sflag:s22], s20  }
0x9f: {  	s3 =	ssub.s32 $0x0, s20;
	[sflag:s22] =	ssyncset.done $0x0  }
0xa0: {  	[sflag:s22] =	ssyncadd.s32 s3;
	_ =	sdelay $0x1  }
0xa1: {  	s23 =	simm.s32 $0x1B8B  }
0xa2: {  	_ =	swait.ge [sflag:s23], $0x1  }
0xa3: {  	[sflag:s23] =	ssyncset.done $0x0  }
0xa4: {  	s25 =	simm.s32 $0x1B8E;
	s24 =	sld [smem:$0x3FFE];
	[sflag:s23] =	ssyncadd.s32 $0xFFFFFFFF  }
0xa5: {  	s26 =	simm.s32 $execute0_lowered;
	[smem:$0x3FD2] =	sst s25  }
0xa6: {  	s4 =	sshll.u32 s26, $0x1;
	_ =	strace $0x80000049;
	[dreg:$0x1] =	wrdreg $0xFFFFFFFF  }
0xa7: {  	s28 =	simm.s32 $_size_execute0_lowered;
	s2 =	sadd.s32 s2, s4;
	[dreg:$0x0] =	wrdreg $0x0  }
0xa8: {  	s4 =	sshll.u32 s28, $0x1;
	[dreg:$0x2] =	wrdreg s2  }
0xa9: {  	[dreg:$0x3] =	wrdreg s4  }
0xaa: {  	[dreg:$0x4] =	wrdreg $0xC0  }
0xab: {  	_ =	task [dreg:s6], $0x5FFFF  }
0xac: {  	[dreg:$0x1] =	wrdreg $0xFFFFFFFF  }
0xad: {  	[dreg:$0x0] =	wrdreg $0x60  }
0xae: {  	[dreg:$0x2] =	wrdreg s24  }
0xaf: {  	[dreg:$0x3] =	wrdreg $0xA0000  }
0xb0: {  	[dreg:$0x4] =	wrdreg $0x9  }
0xb1: {  	_ =	task.clear_ibuf [dreg:s6], $0x5FFFF;
	_ =	strace $0x90000049  }
0xb2: {  	s29 =	simm.s32 $0x9;
	_ =	strace $0x8000004B  }
0xb3: {  	_ =	swait.ge [sflag:s29], $0x1  }
0xb4: {  	[sflag:s29] =	ssyncadd.s32 $0xFFFFFFFF  }
0xb5: {  	_ =	strace $0x9000004B  }
0xb6: {  	_ =	sfence  }
0xb7: {  	s30 =	sld [smem:$0x0];
	_ =	sdelay $0x2  }
0xb8: {  	s31 =	sshll.u32 s1, $0xD;
	s1 =	sshrl.u32 s1, $0x2  }
0xb9: {  	s3 =	sand.u32 $0x4000, s31;
	s1 =	sadd.s32 s1, s30  }
0xba: {  	s0 =	sor.u32 s3, s0;
	s1 =	sshll.u32 s1, $0x11  }
0xbb: {  	s0 =	sor.u32 s1, s0  }
0xbc: {  	s0 =	sadd.s32 $0x8F2B, s0  }
0xbd: {  	[sflag:s0] =	ssyncadd.remote.s32 $0x1  }
0xbe: {  	_ =	sfence.sel $0xFFFF  }
0xbf: {  	[dreg:$0x0] =	wrdreg $0xFFFFFFFF;
	(pc) =	sbr.abs _section_cstart, $3  }
0xc0: {  	[dreg:$0x1] =	wrdreg $0xFFFFFFFF  }
0xc1: {  	_ =	task.clear_ibuf [dreg:s6], $0x2FFFF;
	_ =	strace $0x9FFFFFFF  }
0xc2: {  	(tm) =	ssettm $0x7FFFFFFF  }
0xc3: {  	_ =	shalt  }
tec
execute0_lowered:
.L_overlay_start_1:
0x0: {  	(tag) =	ssettag $0x1  }
0x1: {  	s0 =	rddreg [dreg:$0x0];
	s9 =	stileid.u32  }
0x2: {  	s1 =	srdreg.scid;
	s4 =	smul.u32 $0x2800, s9  }
0x3: {  	s2 =	rddreg [dreg:$0x1];
	s3 =	simm.s32 $0x0;
	s7 =	smul.u32 $0x14000, s9  }
0x4: {  	s30 =	simm.s32 $0x9000;
	s1 =	sand.u32 $0x1, s1;
	s9 =	smul.u32 $0x50000, s9  }
0x5: {  	s31 =	simm.s32 $0x1;
	[smem:$0x7FF] =	sst s3;
	s5 =	smul.u32 $0x28000, s1  }
0x6: {  	s6 =	smul.u32 $0x140000, s1;
	_ =	strace $0x8000004A;
	s1 =	ssub.s32 $0x2, s1  }
0x7: {  	s8 =	sshrl.u32 s4, $0x3;
	s20 =	sshrl.u32 s9, $0x2;
	s21 =	sshrl.u32 s1, $0x1  }
0x8: {  	s5 =	sadd.s32 s4, s5;
	s4 =	sadd.s32 $0x1C00, s0;
	s23 =	sadd.s32 s8, s0  }
0x9: {  	s19 =	sadd.s32 s7, s6;
	s1 =	ssub.s32 s1, s21;
	s5 =	sshrl.u32 s5, $0x3  }
0xa: {  	s7 =	sshrl.u32 s19, $0x3;
	s22 =	sadd.s32 s5, s0;
	s5 =	sadd.s32 s20, s2  }
0xb: {  	s23 =	sadd.s32 $0x51C00, s23;
	s0 =	sadd.s32 s7, s0;
	s6 =	sadd.s32 $0x1000, s5  }
0xc: {  	s24 =	sadd.s32 $0x2000, s5;
	s25 =	sadd.s32 $0x3000, s5;
	s26 =	sadd.s32 $0x4000, s5  }
0xd: {  	s10 =	sadd.s32 $0x5000, s5;
	s11 =	sadd.s32 $0x6000, s5;
	s12 =	sadd.s32 $0x7000, s5  }
0xe: {  	s13 =	sadd.s32 $0x8000, s5;
	s14 =	sadd.s32 $0x9000, s5;
	s15 =	sadd.s32 $0xA000, s5  }
0xf: {  	s16 =	sadd.s32 $0xB000, s5;
	s17 =	sadd.s32 $0xC000, s5;
	s18 =	sadd.s32 $0xD000, s5  }
0x10: {  	s19 =	sadd.s32 $0xE000, s5;
	s20 =	sadd.s32 $0xF000, s5;
	[dreg:$0x3] =	wrdreg s6  }
0x11: {  	s21 =	sadd.s32 $0x10000, s5;
	s22 =	sadd.s32 $0x56C00, s22;
	[dreg:$0x4] =	wrdreg s24  }
0x12: {  	s28 =	sadd.s32 $0x12000, s5;
	s29 =	sadd.s32 $0x13000, s5;
	[dreg:$0x5] =	wrdreg s25  }
0x13: {  	[dreg:$0x6] =	wrdreg s26;
	s24 =	sadd.s32 $0x60C00, s0;
	s25 =	smax.u32 s1, $0x1  }
0x14: {  	v0 =	vimm.f32 $0.0e+00;
	s26 =	sadd.s32 $0x11000, s5;
	s0 =	simm.s32 $0x80;
	s1 =	simm.s32 $0x5000  }
.LBB2_1:
0x15: {  	s6 =	simm.s32 $0x0;
	s7 =	simm.s32 $0x200  }
.LBB2_2:
0x16: {  	p0 =	sne.s32 s7, $0x3E00;
	[tilespmem:s6+$0x9070] =	vst v0  }
0x17: {  	[tilespmem:s6+$0x9000] =	vst v0  }
0x18: {  	[tilespmem:s6+$0x9010] =	vst v0  }
.Ltmp0:
0x19: {  	[tilespmem:s6+$0x9020] =	vst v0;
	(pc) =	sbr.rel @p0 .LBB2_2-.Ltmp0, $4  }
0x1a: {  	[tilespmem:s6+$0x9030] =	vst v0  }
0x1b: {  	[tilespmem:s6+$0x9040] =	vst v0  }
0x1c: {  	[tilespmem:s6+$0x9050] =	vst v0  }
0x1d: {  	[tilespmem:s6+$0x9060] =	vst v0;
	s6 =	sshra.s32 s7, $0x2;
	s7 =	sadd.s32 $0x200, s7  }
0x1e: {  	[tilespmem:s6+$0x9070] =	vst v0  }
0x1f: {  	[tilespmem:s6+$0x9000] =	vst v0  }
0x20: {  	[tilespmem:s6+$0x9010] =	vst v0  }
0x21: {  	[tilespmem:s6+$0x9020] =	vst v0  }
0x22: {  	[tilespmem:s6+$0x9030] =	vst v0  }
0x23: {  	[tilespmem:s6+$0x9040] =	vst v0  }
0x24: {  	[tilespmem:s6+$0x9050] =	vst v0  }
0x25: {  	[tilespmem:s6+$0x9060] =	vst v0  }
0x26: {  	[spmem:s5] =	stream.linear.scatter [tilespmem:s30], [sflag:$0x1], $0x1000, $0x38;
	[tilespmem:$0x1E000] =	vst v63  }
0x27: {  	_ =	swait.ge [sflag:s31], $0x1000  }
0x28: {  	[sflag:s31] =	ssyncset.done $0x0  }
0x29: {  	s8 =	rddreg [dreg:$0x3];
	[sflag:s31] =	ssyncadd.s32 $0xFFFFF000  }
0x2a: {  	[spmem:s8] =	stream.linear.scatter [tilespmem:s30], [sflag:$0x1], $0x1000, $0x38;
	[tilespmem:$0x1E000] =	vst v63  }
0x2b: {  	_ =	swait.ge [sflag:s31], $0x1000  }
0x2c: {  	[sflag:s31] =	ssyncset.done $0x0  }
0x2d: {  	s9 =	rddreg [dreg:$0x4];
	[sflag:s31] =	ssyncadd.s32 $0xFFFFF000  }
0x2e: {  	[spmem:s9] =	stream.linear.scatter [tilespmem:s30], [sflag:$0x1], $0x1000, $0x38;
	[tilespmem:$0x1E000] =	vst v63  }
0x2f: {  	_ =	swait.ge [sflag:s31], $0x1000  }
0x30: {  	[sflag:s31] =	ssyncset.done $0x0  }
0x31: {  	s7 =	rddreg [dreg:$0x5];
	[sflag:s31] =	ssyncadd.s32 $0xFFFFF000  }
0x32: {  	[spmem:s7] =	stream.linear.scatter [tilespmem:s30], [sflag:$0x1], $0x1000, $0x38;
	[tilespmem:$0x1E000] =	vst v63  }
0x33: {  	_ =	swait.ge [sflag:s31], $0x1000  }
0x34: {  	[sflag:s31] =	ssyncset.done $0x0  }
0x35: {  	s8 =	rddreg [dreg:$0x6];
	[sflag:s31] =	ssyncadd.s32 $0xFFFFF000  }
0x36: {  	[spmem:s8] =	stream.linear.scatter [tilespmem:s30], [sflag:$0x1], $0x1000, $0x38;
	[tilespmem:$0x1E000] =	vst v63  }
0x37: {  	_ =	swait.ge [sflag:s31], $0x1000  }
0x38: {  	[sflag:s31] =	ssyncset.done $0x0  }
0x39: {  	[sflag:s31] =	ssyncadd.s32 $0xFFFFF000  }
0x3a: {  	[spmem:s10] =	stream.linear.scatter [tilespmem:s30], [sflag:$0x1], $0x1000, $0x38;
	[tilespmem:$0x1E000] =	vst v63  }
0x3b: {  	_ =	swait.ge [sflag:s31], $0x1000  }
0x3c: {  	[sflag:s31] =	ssyncset.done $0x0  }
0x3d: {  	[sflag:s31] =	ssyncadd.s32 $0xFFFFF000  }
0x3e: {  	[spmem:s11] =	stream.linear.scatter [tilespmem:s30], [sflag:$0x1], $0x1000, $0x38;
	[tilespmem:$0x1E000] =	vst v63  }
0x3f: {  	_ =	swait.ge [sflag:s31], $0x1000  }
0x40: {  	[sflag:s31] =	ssyncset.done $0x0  }
0x41: {  	[sflag:s31] =	ssyncadd.s32 $0xFFFFF000  }
0x42: {  	[spmem:s12] =	stream.linear.scatter [tilespmem:s30], [sflag:$0x1], $0x1000, $0x38;
	[tilespmem:$0x1E000] =	vst v63  }
0x43: {  	_ =	swait.ge [sflag:s31], $0x1000  }
0x44: {  	[sflag:s31] =	ssyncset.done $0x0  }
0x45: {  	[sflag:s31] =	ssyncadd.s32 $0xFFFFF000  }
0x46: {  	[spmem:s13] =	stream.linear.scatter [tilespmem:s30], [sflag:$0x1], $0x1000, $0x38;
	[tilespmem:$0x1E000] =	vst v63  }
0x47: {  	_ =	swait.ge [sflag:s31], $0x1000  }
0x48: {  	[sflag:s31] =	ssyncset.done $0x0  }
0x49: {  	[sflag:s31] =	ssyncadd.s32 $0xFFFFF000  }
0x4a: {  	[spmem:s14] =	stream.linear.scatter [tilespmem:s30], [sflag:$0x1], $0x1000, $0x38;
	[tilespmem:$0x1E000] =	vst v63  }
0x4b: {  	_ =	swait.ge [sflag:s31], $0x1000  }
0x4c: {  	[sflag:s31] =	ssyncset.done $0x0  }
0x4d: {  	[sflag:s31] =	ssyncadd.s32 $0xFFFFF000  }
0x4e: {  	[spmem:s15] =	stream.linear.scatter [tilespmem:s30], [sflag:$0x1], $0x1000, $0x38;
	[tilespmem:$0x1E000] =	vst v63  }
0x4f: {  	_ =	swait.ge [sflag:s31], $0x1000  }
0x50: {  	[sflag:s31] =	ssyncset.done $0x0  }
0x51: {  	[sflag:s31] =	ssyncadd.s32 $0xFFFFF000  }
0x52: {  	[spmem:s16] =	stream.linear.scatter [tilespmem:s30], [sflag:$0x1], $0x1000, $0x38;
	[tilespmem:$0x1E000] =	vst v63  }
0x53: {  	_ =	swait.ge [sflag:s31], $0x1000  }
0x54: {  	[sflag:s31] =	ssyncset.done $0x0  }
0x55: {  	[sflag:s31] =	ssyncadd.s32 $0xFFFFF000  }
0x56: {  	[spmem:s17] =	stream.linear.scatter [tilespmem:s30], [sflag:$0x1], $0x1000, $0x38;
	[tilespmem:$0x1E000] =	vst v63  }
0x57: {  	_ =	swait.ge [sflag:s31], $0x1000  }
0x58: {  	[sflag:s31] =	ssyncset.done $0x0  }
0x59: {  	[sflag:s31] =	ssyncadd.s32 $0xFFFFF000  }
0x5a: {  	[spmem:s18] =	stream.linear.scatter [tilespmem:s30], [sflag:$0x1], $0x1000, $0x38;
	[tilespmem:$0x1E000] =	vst v63  }
0x5b: {  	_ =	swait.ge [sflag:s31], $0x1000  }
0x5c: {  	[sflag:s31] =	ssyncset.done $0x0  }
0x5d: {  	[sflag:s31] =	ssyncadd.s32 $0xFFFFF000  }
0x5e: {  	[spmem:s19] =	stream.linear.scatter [tilespmem:s30], [sflag:$0x1], $0x1000, $0x38;
	[tilespmem:$0x1E000] =	vst v63  }
0x5f: {  	_ =	swait.ge [sflag:s31], $0x1000  }
0x60: {  	[sflag:s31] =	ssyncset.done $0x0  }
0x61: {  	[sflag:s31] =	ssyncadd.s32 $0xFFFFF000  }
0x62: {  	[spmem:s20] =	stream.linear.scatter [tilespmem:s30], [sflag:$0x1], $0x1000, $0x38;
	[tilespmem:$0x1E000] =	vst v63  }
0x63: {  	_ =	swait.ge [sflag:s31], $0x1000  }
0x64: {  	[sflag:s31] =	ssyncset.done $0x0  }
0x65: {  	[sflag:s31] =	ssyncadd.s32 $0xFFFFF000  }
0x66: {  	[spmem:s21] =	stream.linear.scatter [tilespmem:s30], [sflag:$0x1], $0x1000, $0x38;
	[tilespmem:$0x1E000] =	vst v63  }
0x67: {  	_ =	swait.ge [sflag:s31], $0x1000  }
0x68: {  	[sflag:s31] =	ssyncset.done $0x0  }
0x69: {  	[sflag:s31] =	ssyncadd.s32 $0xFFFFF000  }
0x6a: {  	[spmem:s26] =	stream.linear.scatter [tilespmem:s30], [sflag:$0x1], $0x1000, $0x38;
	[tilespmem:$0x1E000] =	vst v63  }
0x6b: {  	_ =	swait.ge [sflag:s31], $0x1000  }
0x6c: {  	[sflag:s31] =	ssyncset.done $0x0  }
0x6d: {  	[sflag:s31] =	ssyncadd.s32 $0xFFFFF000  }
0x6e: {  	[spmem:s28] =	stream.linear.scatter [tilespmem:s30], [sflag:$0x1], $0x1000, $0x38;
	[tilespmem:$0x1E000] =	vst v63  }
0x6f: {  	_ =	swait.ge [sflag:s31], $0x1000  }
0x70: {  	[sflag:s31] =	ssyncset.done $0x0  }
0x71: {  	[sflag:s31] =	ssyncadd.s32 $0xFFFFF000  }
0x72: {  	[spmem:s29] =	stream.linear.scatter [tilespmem:s30], [sflag:$0x1], $0x1000, $0x38;
	[tilespmem:$0x1E000] =	vst v63  }
0x73: {  	_ =	swait.ge [sflag:s31], $0x1000  }
0x74: {  	[sflag:s31] =	ssyncset.done $0x0  }
0x75: {  	[sflag:s31] =	ssyncadd.s32 $0xFFFFF000  }
0x76: {  	s9 =	simm.s32 $0x0;
	[bflag:$0x0] =	sbarrier.arrive $0xFFFF  }
0x77: {  	[tilespmem:s9], [sflag:$0x1] =	stream.linear.gather [hbm4b:s22+s9], $0x2780, $0x38;
	[tilespmem:$0x1E000] =	vst v63  }
0x78: {  	_ =	swait.ge [sflag:s31], $0x2780  }
0x79: {  	[sflag:s31] =	ssyncset.done $0x0  }
0x7a: {  	s7 =	simm.s32 $0x2800;
	[sflag:s31] =	ssyncadd.s32 $0xFFFFD880  }
0x7b: {  	[tilespmem:s7], [sflag:$0x1] =	stream.linear.gather [hbm4b:s23+s9], $0x2780, $0x38;
	[tilespmem:$0x1E000] =	vst v63  }
0x7c: {  	_ =	swait.ge [sflag:s31], $0x2780  }
0x7d: {  	[sflag:s31] =	ssyncset.done $0x0  }
0x7e: {  	s8 =	simm.s32 $0x0;
	[sflag:s31] =	ssyncadd.s32 $0xFFFFD880  }
0x7f: {  	[tilespmem:s1], [sflag:$0x1] =	stream.indirect.gather [hbm4b:s4+s0], $0x80, s8, s0, $0xb8;
	[tilespmem:$0x1E000] =	vst v63  }
0x80: {  	_ =	swait.ge [sflag:s31], $0x4000  }
0x81: {  	[sflag:s31] =	ssyncset.done $0x0  }
0x82: {  	s9 =	simm.s32 $0x2800;
	[sflag:s31] =	ssyncadd.s32 $0xFFFFC000  }
0x83: {  	[spmem:s2] =	stream.indirect.scatter.add.f32 [tilespmem:s1], [sflag:$0x1], $0x80, s9, s0, $0xb8;
	[tilespmem:$0x1E000] =	vst v63  }
0x84: {  	_ =	swait.ge [sflag:s31], $0x4000  }
0x85: {  	s6 =	simm.s32 $0x200;
	s7 =	simm.s32 $0x400;
	[sflag:s31] =	ssyncset.done $0x0  }
.LBB2_4:
0x86: {  	s8 =	sshra.s32 s6, $0x2  }
0x87: {  	[sflag:s31] =	ssyncadd.s32 $0xFFFFC000;
	s6 =	smov.u32 s7;
	s9 =	sadd.s32 $0x200, s7  }
0x88: {  	[tilespmem:s1], [sflag:$0x1] =	stream.indirect.gather [hbm4b:s4+s0], $0x80, s8, s0, $0xb8;
	[tilespmem:$0x1E000] =	vst v63  }
0x89: {  	p0 =	sne.s32 s7, $0x9C00;
	_ =	swait.ge [sflag:s31], $0x4000  }
.Ltmp1:
0x8a: {  	[sflag:s31] =	ssyncset.done $0x0;
	(pc) =	sbr.rel @p0 .LBB2_4-.Ltmp1, $4  }
0x8b: {  	s7 =	sadd.s32 $0x2800, s8;
	[sflag:s31] =	ssyncadd.s32 $0xFFFFC000  }
0x8c: {  	[spmem:s2] =	stream.indirect.scatter.add.f32 [tilespmem:s1], [sflag:$0x1], $0x80, s7, s0, $0xb8;
	[tilespmem:$0x1E000] =	vst v63  }
0x8d: {  	_ =	swait.ge [sflag:s31], $0x4000  }
0x8e: {  	s7 =	smov.u32 s9;
	[sflag:s31] =	ssyncset.done $0x0  }
0x8f: {  	s6 =	sshra.s32 s6, $0x2;
	[sflag:s31] =	ssyncadd.s32 $0xFFFFC000  }
0x90: {  	[tilespmem:s1], [sflag:$0x1] =	stream.indirect.gather [hbm4b:s4+s0], $0x80, s6, s0, $0xb8;
	[tilespmem:$0x1E000] =	vst v63  }
0x91: {  	_ =	swait.ge [sflag:s31], $0x4000  }
0x92: {  	[sflag:s31] =	ssyncset.done $0x0  }
0x93: {  	s6 =	sadd.s32 $0x2800, s6;
	[sflag:s31] =	ssyncadd.s32 $0xFFFFC000  }
0x94: {  	[spmem:s2] =	stream.indirect.scatter.add.f32 [tilespmem:s1], [sflag:$0x1], $0x80, s6, s0, $0xb8;
	[tilespmem:$0x1E000] =	vst v63  }
0x95: {  	s9 =	stileid.u32;
	_ =	swait.ge [sflag:s31], $0x4000  }
0x96: {  	s7 =	sshrl.u32 s5, $0x3;
	s3 =	sadd.s32 $0x1, s3;
	[sflag:s31] =	ssyncset.done $0x0  }
0x97: {  	p0 =	sne.s32 s3, s25;
	s6 =	sshll.u32 s9, $0x6;
	[sflag:s31] =	ssyncadd.s32 $0xFFFFC000  }
.Ltmp2:
0x98: {  	s6 =	sor.u32 $0x1C01, s6;
	[bflag:$0x0] =	sbarrier.arrive $0xFFFF;
	(pc) =	sbr.rel @p0 .LBB2_1-.Ltmp2, $4  }
0x99: {  	[hbm:s24], [sflag:s6] =	dma.local [spmem:s7], $0x2800  }
0x9a: {  	_ =	swait.ge [sflag:s31], $0x2800  }
0x9b: {  	[sflag:s31] =	ssyncset.done $0x0  }
0x9c: {  	[sflag:s31] =	ssyncadd.s32 $0xFFFFD800  }
0x9d: {  	_ =	sfence.sel $0x180000  }
0x9e: {  	[bflag:$0x0] =	sbarrier.arrive $0xFFFF  }
0x9f: {  	_ =	strace $0x9000004A  }
0xa0: {  	s0 =	stileid.u32;
	[bflag:$0x2] =	sbarrier.arrive $0xFFFF  }
0xa1: {  	p0 =	sne.s32 s0, $0x0;
	s0 =	rddreg [dreg:$0x2]  }
0xa2: {  	s0 =	sadd.s32 @!p0 $0x100000, s0  }
0xa3: {  	[sflag:s0] =	ssyncadd.tile.s32 @!p0 $0x1;
	_ =	shalt  }
.Lfunc_end2:
_tile_overlayer_lowered:
.L_overlay_start_2:
0xa4: {  	(tag) =	ssettag $0x2  }
0xa5: {  	s0 =	rddreg [dreg:$0x0];
	s2 =	stileid.u32  }
0xa6: {  	s1 =	rddreg [dreg:$0x1];
	p0 =	sne.s32 s2, $0x0  }
0xa7: {  	s3 =	rddreg [dreg:$0x2];
	[bflag:$0x3] =	sbarrier.arrive $0xFFFF;
	s2 =	simm.s32 @!p0 $0x1C01  }
0xa8: {  	[timem:s3], [sflag:s2] =	dma.local @!p0 [hbm:s0], s1  }
0xa9: {  	s0 =	simm.s32 @!p0 $0x1  }
0xaa: {  	_ =	swait.ge @!p0 [sflag:s0], s1  }
0xab: {  	s1 =	ssub.s32 @!p0 $0x0, s1;
	[sflag:s0] =	ssyncset.done @!p0 $0x0  }
0xac: {  	[sflag:s0] =	ssyncadd.s32 @!p0 s1  }
0xad: {  	[bflag:$0x3] =	sbarrier.arrive $0xFFFF  }
0xae: {  	_ =	shalt  }

</sc_bundles>
